<compile_context>
chip_gen: v7x
topology: tpu7x:2x2x1
jax: 0.10.2.dev20260603
libtpu: 0.0.44.dev20260713+nightly
codegen_flags: <defaults>
</compile_context>

<pallas_src>
import functools

import jax
import jax.numpy as jnp
from jax import lax
from jax.experimental import pallas as pl
from jax.experimental.pallas import tpu as pltpu
from jax.experimental.pallas import tpu_sc as plsc

NC, NS, LANES = 2, 16, 16
NW = NC * NS
IDXB = 512
NIDX = 1
MAC = IDXB * NIDX
NSLOT = 2


def _body(n_tok, tags, wdim, tdim,
          sent_hbm, wtab_hbm, ttab_hbm, out_hbm,
          idx_v, ttab_v, w_v, t_v, idx_sem, gw_sem, out_sem):
    tok_per_w = n_tok // NW
    nmac = tok_per_w // MAC
    wid = lax.axis_index("s") * NC + lax.axis_index("c")
    base_w = wid * tok_per_w

    pltpu.sync_copy(ttab_hbm, ttab_v)
    lane = lax.broadcasted_iota(jnp.int32, (LANES,), 0)

    def idx_src(g):
        return sent_hbm.at[pl.ds((base_w + g * MAC) // IDXB, NIDX)]

    def out_w_dst(g):
        return out_hbm.at[pl.ds(base_w + g * MAC, MAC), pl.ds(0, wdim)]

    def out_t_dst(g):
        return out_hbm.at[pl.ds(base_w + g * MAC, MAC), pl.ds(wdim, tdim)]

    pltpu.async_copy(idx_src(0), idx_v[0], idx_sem[0])

    def macro(gg, carry):
        for s in range(NSLOT):
            g = gg * NSLOT + s
            pltpu.make_async_copy(idx_src(g), idx_v[s], idx_sem[s]).wait()
            @pl.when(gg > 0)
            def _():
                pltpu.make_async_copy(w_v[s], out_w_dst(g), out_sem[s]).wait()
                pltpu.make_async_copy(t_v[s], out_t_dst(g), out_sem[s]).wait()
            pltpu.async_copy(wtab_hbm.at[idx_v[s].at[0]],
                             w_v[s], gw_sem[s])
            if s == 0:
                pltpu.async_copy(idx_src(g + 1), idx_v[1], idx_sem[1])
            else:
                @pl.when(gg < nmac // NSLOT - 1)
                def _():
                    pltpu.async_copy(idx_src(g + 1), idx_v[0], idx_sem[0])

            def tagloop(bb, carry):
                rows_v = lane + bb * LANES
                tid = lax.rem(idx_v[s][0, pl.ds(bb * LANES, LANES)],
                              jnp.int32(tags))
                for c in range(tdim):
                    colv = jnp.full((LANES,), c, jnp.int32)
                    v = plsc.load_gather(ttab_v, [tid, colv])
                    plsc.store_scatter(t_v[s], [rows_v, colv], v)
                return carry

            lax.fori_loop(0, MAC // LANES, tagloop, 0)

            pltpu.make_async_copy(wtab_hbm.at[idx_v[s].at[0]],
                                  w_v[s], gw_sem[s]).wait()
            pltpu.async_copy(w_v[s], out_w_dst(g), out_sem[s])
            pltpu.async_copy(t_v[s], out_t_dst(g), out_sem[s])
        return carry

    lax.fori_loop(0, nmac // NSLOT, macro, 0)

    for s in range(NSLOT):
        g = nmac - NSLOT + s
        pltpu.make_async_copy(w_v[s], out_w_dst(g), out_sem[s]).wait()
        pltpu.make_async_copy(t_v[s], out_t_dst(g), out_sem[s]).wait()


def kernel(sentence, word_table, tag_table):
    b, l = sentence.shape
    n_tok = b * l
    vocab, wdim = word_table.shape
    tags, tdim = tag_table.shape
    odim = wdim + tdim
    sent = sentence.reshape(n_tok // IDXB, IDXB).astype(jnp.int32)

    mesh = plsc.VectorSubcoreMesh(
        core_axis_name="c", subcore_axis_name="s",
        num_cores=NC, num_subcores=NS)
    run = pl.kernel(
        functools.partial(_body, n_tok, tags, wdim, tdim),
        out_type=jax.ShapeDtypeStruct((n_tok, odim), jnp.float32),
        mesh=mesh,
        scratch_types=[
            [pltpu.VMEM((NIDX, IDXB), jnp.int32) for _ in range(NSLOT)],
            pltpu.VMEM((tags, tdim), jnp.float32),
            [pltpu.VMEM((MAC, wdim), jnp.float32) for _ in range(NSLOT)],
            [pltpu.VMEM((MAC, tdim), jnp.float32) for _ in range(NSLOT)],
            [pltpu.SemaphoreType.DMA for _ in range(NSLOT)],
            [pltpu.SemaphoreType.DMA for _ in range(NSLOT)],
            [pltpu.SemaphoreType.DMA for _ in range(NSLOT)],
        ],
        compiler_params=pltpu.CompilerParams(use_tc_tiling_on_sc=False,
                                             needs_layout_passes=False),
    )
    out = run(sent, word_table, tag_table)
    return out.reshape(b, l, odim)

# --- scband reference (transcript-rebuilt; emitter-appended) ---
"""Pipeline reference for scband-dependency-parse-model-25666724561135 (READ-ONLY COPY).

The authoritative reference and input builder live on the scoring server;
editing this copy changes nothing except your own understanding.
"""

import jax, jax.numpy as jnp
import numpy as np

VOCAB = 1000000
TAGS = 50
WDIM = 64
TDIM = 32
B, L = 4096, 200

def setup_inputs(seed: int = 0) -> dict:
    key = jax.random.key(seed)
    k1, k2, k3 = jax.random.split(key, 3)
    sentence = jax.random.randint(k1, (B, L), 0, VOCAB).astype(jnp.int64)
    word_table = (jax.random.normal(k2, (VOCAB, WDIM), dtype=jnp.float32) * 0.02)
    tag_table = (jax.random.normal(k3, (TAGS, TDIM), dtype=jnp.float32) * 0.02)
    return {"sentence": sentence, "word_table": word_table, "tag_table": tag_table}

def reference(sentence, word_table, tag_table):
    # Embedding lookups corresponding to nn.Embedding(vocabulary_size, word_embeddings_dim)
    # and nn.Embedding(tag_uniqueCount, tag_embeddings_dim); tag ids derived deterministically
    # from the token ids so they stay in range [0, tag_uniqueCount).
    w = jnp.take(word_table, sentence, axis=0)
    tag_ids = jnp.mod(sentence, tag_table.shape[0])
    t = jnp.take(tag_table, tag_ids, axis=0)
    # Concatenated word+tag embedding is the LSTM input (inputSize = word_dim + tag_dim).
    return jnp.concatenate([w, t], axis=-1)

if __name__ == "__main__":
    import jax
    _d = setup_inputs()
    print(jax.jit(kernel)(*tuple(_d.values())))

</pallas_src>

<mosaic_0001>
#map = affine_map<(d0, d1) -> (0, 0)>
module attributes {stable_mosaic.version = 14 : i64} {
  func.func @_body(%arg0: i32, %arg1: i32, %arg2: memref<1600x512xi32, #tpu.memory_space<hbm>>, %arg3: memref<1000000x64xf32, #tpu.memory_space<hbm>>, %arg4: memref<50x32xf32, #tpu.memory_space<hbm>>, %arg5: memref<819200x96xf32, #tpu.memory_space<hbm>>, %arg6: memref<1x512xi32, #tpu.memory_space<vmem>>, %arg7: memref<1x512xi32, #tpu.memory_space<vmem>>, %arg8: memref<50x32xf32, #tpu.memory_space<vmem>>, %arg9: memref<512x64xf32, #tpu.memory_space<vmem>>, %arg10: memref<512x64xf32, #tpu.memory_space<vmem>>, %arg11: memref<512x32xf32, #tpu.memory_space<vmem>>, %arg12: memref<512x32xf32, #tpu.memory_space<vmem>>, %arg13: memref<!tpu.dma_semaphore, #tpu.memory_space<semaphore_mem>>, %arg14: memref<!tpu.dma_semaphore, #tpu.memory_space<semaphore_mem>>, %arg15: memref<!tpu.dma_semaphore, #tpu.memory_space<semaphore_mem>>, %arg16: memref<!tpu.dma_semaphore, #tpu.memory_space<semaphore_mem>>, %arg17: memref<!tpu.dma_semaphore, #tpu.memory_space<semaphore_mem>>, %arg18: memref<!tpu.dma_semaphore, #tpu.memory_space<semaphore_mem>>) attributes {dimension_semantics = [#tpu.dimension_semantics<core_parallel>, #tpu.dimension_semantics<subcore_parallel>], iteration_bounds = array<i64: 2, 16>, scalar_prefetch = 0 : i64, scratch_operands = 13 : i64, tpu.core_type = #tpu.core_type<sc_vector_subcore>, window_params = [{transform_indices = #map}, {transform_indices = #map}, {transform_indices = #map}, {transform_indices = #map}]} {
    %mul3A = arith.constant 2 : i32
    %mul3A_0 = arith.muli %arg1, %mul3A : i32
    %add3A = arith.addi %mul3A_0, %arg0 : i32
    %mul3A_1 = arith.constant 25600 : i32
    %mul3A_2 = arith.muli %add3A, %mul3A_1 : i32
    "tpu.region"() ({
      %run_scoped3A = tpu.sem_alloc : memref<!tpu.dma_semaphore, #tpu.memory_space<semaphore_mem>>
      tpu.enqueue_dma source(%arg4 : memref<50x32xf32, #tpu.memory_space<hbm>>) target(%arg8 : memref<50x32xf32, #tpu.memory_space<vmem>>) target_semaphore(%run_scoped3A : memref<!tpu.dma_semaphore, #tpu.memory_space<semaphore_mem>>)
      tpu.wait_dma2 semaphore(%run_scoped3A : memref<!tpu.dma_semaphore, #tpu.memory_space<semaphore_mem>>) src(%arg4 : memref<50x32xf32, #tpu.memory_space<hbm>>) dst(%arg8 : memref<50x32xf32, #tpu.memory_space<vmem>>)
      tpu.yield
    }) : () -> ()
    %iota3A = tpu.iota {dimensions = array<i32: 0>} : vector<16xi32>
    %add3A_3 = arith.constant 0 : i32
    %add3A_4 = arith.addi %mul3A_2, %add3A_3 : i32
    %jit3A = arith.constant 512 : i32
    %div3A = arith.divsi %add3A_4, %jit3A : i32
    %sign3A = arith.constant 0 : i32
    %sign3A_5 = arith.cmpi sgt, %add3A_4, %sign3A : i32
    %sign3A_6 = arith.extui %sign3A_5 : i1 to i32
    %sign3A_7 = arith.constant 0 : i32
    %sign3A_8 = arith.cmpi slt, %add3A_4, %sign3A_7 : i32
    %sign3A_9 = arith.extui %sign3A_8 : i1 to i32
    %sign3A_10 = arith.subi %sign3A_6, %sign3A_9 : i32
    %sign3A_11 = arith.constant 0 : i32
    %sign3A_12 = arith.cmpi sgt, %jit3A, %sign3A_11 : i32
    %sign3A_13 = arith.extui %sign3A_12 : i1 to i32
    %sign3A_14 = arith.constant 0 : i32
    %sign3A_15 = arith.cmpi slt, %jit3A, %sign3A_14 : i32
    %sign3A_16 = arith.extui %sign3A_15 : i1 to i32
    %sign3A_17 = arith.subi %sign3A_13, %sign3A_16 : i32
    %ne3A = arith.cmpi ne, %sign3A_10, %sign3A_17 : i32
    %rem3A = arith.remsi %add3A_4, %jit3A : i32
    %ne3A_18 = arith.constant 0 : i32
    %ne3A_19 = arith.cmpi ne, %rem3A, %ne3A_18 : i32
    %and3A = arith.andi %ne3A, %ne3A_19 : i1
    %sub3A = arith.constant 1 : i32
    %sub3A_20 = arith.subi %div3A, %sub3A : i32
    %select_n3A = arith.select %and3A, %sub3A_20, %div3A : i32
    %dma_start3A = arith.constant 0 : i32
    %dma_start3A_21 = tpu.memref_slice %arg2[%select_n3A, %dma_start3A] : memref<1600x512xi32, #tpu.memory_space<hbm>> -> memref<1x512xi32, #tpu.memory_space<hbm>>
    %dma_start3A_22 = arith.constant 0 : i32
    %dma_start3A_23 = tpu.memref_slice %arg2[%select_n3A, %dma_start3A_22] : memref<1600x512xi32, #tpu.memory_space<hbm>> -> memref<1x512xi32, #tpu.memory_space<hbm>>
    tpu.enqueue_dma source(%dma_start3A_23 : memref<1x512xi32, #tpu.memory_space<hbm>>) target(%arg6 : memref<1x512xi32, #tpu.memory_space<vmem>>) target_semaphore(%arg13 : memref<!tpu.dma_semaphore, #tpu.memory_space<semaphore_mem>>)
    %scan3A = arith.constant 0 : i32
    %scan3A_24 = arith.constant 0 : i32
    %scan3A_25 = arith.constant 25 : i32
    %scan3A_26 = arith.addi %scan3A_24, %scan3A_25 : i32
    %scan3A_27 = arith.constant 1 : i32
    scf.for %scan3A_52 = %scan3A_24 to %scan3A_26 step %scan3A_27  : i32 {
      %mul3A_53 = arith.constant 2 : i32
      %mul3A_54 = arith.muli %scan3A_52, %mul3A_53 : i32
      %add3A_55 = arith.constant 0 : i32
      %add3A_56 = arith.addi %mul3A_54, %add3A_55 : i32
      %mul3A_57 = arith.constant 512 : i32
      %mul3A_58 = arith.muli %add3A_56, %mul3A_57 : i32
      %add3A_59 = arith.addi %mul3A_2, %mul3A_58 : i32
      %jit3A_60 = arith.constant 512 : i32
      %div3A_61 = arith.divsi %add3A_59, %jit3A_60 : i32
      %sign3A_62 = arith.constant 0 : i32
      %sign3A_63 = arith.cmpi sgt, %add3A_59, %sign3A_62 : i32
      %sign3A_64 = arith.extui %sign3A_63 : i1 to i32
      %sign3A_65 = arith.constant 0 : i32
      %sign3A_66 = arith.cmpi slt, %add3A_59, %sign3A_65 : i32
      %sign3A_67 = arith.extui %sign3A_66 : i1 to i32
      %sign3A_68 = arith.subi %sign3A_64, %sign3A_67 : i32
      %sign3A_69 = arith.constant 0 : i32
      %sign3A_70 = arith.cmpi sgt, %jit3A_60, %sign3A_69 : i32
      %sign3A_71 = arith.extui %sign3A_70 : i1 to i32
      %sign3A_72 = arith.constant 0 : i32
      %sign3A_73 = arith.cmpi slt, %jit3A_60, %sign3A_72 : i32
      %sign3A_74 = arith.extui %sign3A_73 : i1 to i32
      %sign3A_75 = arith.subi %sign3A_71, %sign3A_74 : i32
      %ne3A_76 = arith.cmpi ne, %sign3A_68, %sign3A_75 : i32
      %rem3A_77 = arith.remsi %add3A_59, %jit3A_60 : i32
      %ne3A_78 = arith.constant 0 : i32
      %ne3A_79 = arith.cmpi ne, %rem3A_77, %ne3A_78 : i32
      %and3A_80 = arith.andi %ne3A_76, %ne3A_79 : i1
      %sub3A_81 = arith.constant 1 : i32
      %sub3A_82 = arith.subi %div3A_61, %sub3A_81 : i32
      %select_n3A_83 = arith.select %and3A_80, %sub3A_82, %div3A_61 : i32
      %dma_wait3A_84 = arith.constant 0 : i32
      %dma_wait3A_85 = tpu.memref_slice %arg2[%select_n3A_83, %dma_wait3A_84] : memref<1600x512xi32, #tpu.memory_space<hbm>> -> memref<1x512xi32, #tpu.memory_space<hbm>>
      %dma_wait3A_86 = arith.constant 0 : i32
      %dma_wait3A_87 = tpu.memref_slice %arg2[%select_n3A_83, %dma_wait3A_86] : memref<1600x512xi32, #tpu.memory_space<hbm>> -> memref<1x512xi32, #tpu.memory_space<hbm>>
      tpu.wait_dma2 semaphore(%arg13 : memref<!tpu.dma_semaphore, #tpu.memory_space<semaphore_mem>>) src(%dma_wait3A_87 : memref<1x512xi32, #tpu.memory_space<hbm>>) dst(%arg6 : memref<1x512xi32, #tpu.memory_space<vmem>>)
      %gt3A = arith.constant 0 : i32
      %gt3A_88 = arith.cmpi sgt, %scan3A_52, %gt3A : i32
      %convert_element_type3A = arith.extui %gt3A_88 : i1 to i32
      %cond3A = arith.constant 0 : i32
      %cond3A_89 = arith.cmpi ne, %convert_element_type3A, %cond3A : i32
      scf.if %cond3A_89 {
        %mul3A_235 = arith.constant 512 : i32
        %mul3A_236 = arith.muli %add3A_56, %mul3A_235 : i32
        %add3A_237 = arith.addi %mul3A_2, %mul3A_236 : i32
        %dma_wait3A_238 = arith.constant 0 : i32
        %dma_wait3A_239 = tpu.memref_slice %arg5[%add3A_237, %dma_wait3A_238] : memref<819200x96xf32, #tpu.memory_space<hbm>> -> memref<512x64xf32, #tpu.memory_space<hbm>>
        %dma_wait3A_240 = arith.constant 0 : i32
        %dma_wait3A_241 = tpu.memref_slice %arg5[%add3A_237, %dma_wait3A_240] : memref<819200x96xf32, #tpu.memory_space<hbm>> -> memref<512x64xf32, #tpu.memory_space<hbm>>
        tpu.wait_dma2 semaphore(%arg17 : memref<!tpu.dma_semaphore, #tpu.memory_space<semaphore_mem>>) src(%arg9 : memref<512x64xf32, #tpu.memory_space<vmem>>) dst(%dma_wait3A_241 : memref<512x64xf32, #tpu.memory_space<hbm>>)
        %mul3A_242 = arith.constant 512 : i32
        %mul3A_243 = arith.muli %add3A_56, %mul3A_242 : i32
        %add3A_244 = arith.addi %mul3A_2, %mul3A_243 : i32
        %dma_wait3A_245 = arith.constant 64 : i32
        %dma_wait3A_246 = tpu.memref_slice %arg5[%add3A_244, %dma_wait3A_245] : memref<819200x96xf32, #tpu.memory_space<hbm>> -> memref<512x32xf32, #tpu.memory_space<hbm>>
        %dma_wait3A_247 = arith.constant 64 : i32
        %dma_wait3A_248 = tpu.memref_slice %arg5[%add3A_244, %dma_wait3A_247] : memref<819200x96xf32, #tpu.memory_space<hbm>> -> memref<512x32xf32, #tpu.memory_space<hbm>>
        tpu.wait_dma2 semaphore(%arg17 : memref<!tpu.dma_semaphore, #tpu.memory_space<semaphore_mem>>) src(%arg11 : memref<512x32xf32, #tpu.memory_space<vmem>>) dst(%dma_wait3A_248 : memref<512x32xf32, #tpu.memory_space<hbm>>)
      } else {
      }
      %dma_start3A_90 = arith.constant 0 : i32
      %dma_start3A_91 = arith.constant 0 : i32
      %dma_start3A_92 = tpu.memref_slice %arg6[%dma_start3A_90, %dma_start3A_91] : memref<1x512xi32, #tpu.memory_space<vmem>> -> memref<1x512xi32, #tpu.memory_space<vmem>>
      %dma_start3A_93 = tpu.memref_squeeze %dma_start3A_92 : memref<1x512xi32, #tpu.memory_space<vmem>> -> memref<512xi32, #tpu.memory_space<vmem>>
      %dma_start3A_94 = arith.constant 0 : i32
      %dma_start3A_95 = arith.constant 0 : i32
      %dma_start3A_96 = tpu.memref_slice %arg3[%dma_start3A_94, %dma_start3A_95] : memref<1000000x64xf32, #tpu.memory_space<hbm>> -> memref<1000000x64xf32, #tpu.memory_space<hbm>>
      tpu.enqueue_indirect_dma source(%dma_start3A_96 : memref<1000000x64xf32, #tpu.memory_space<hbm>>) target(%arg9 : memref<512x64xf32, #tpu.memory_space<vmem>>) offsets(%dma_start3A_93 : memref<512xi32, #tpu.memory_space<vmem>>) semaphore(%arg15 : memref<!tpu.dma_semaphore, #tpu.memory_space<semaphore_mem>>)
      %add3A_97 = arith.constant 1 : i32
      %add3A_98 = arith.addi %add3A_56, %add3A_97 : i32
      %mul3A_99 = arith.constant 512 : i32
      %mul3A_100 = arith.muli %add3A_98, %mul3A_99 : i32
      %add3A_101 = arith.addi %mul3A_2, %mul3A_100 : i32
      %jit3A_102 = arith.constant 512 : i32
      %div3A_103 = arith.divsi %add3A_101, %jit3A_102 : i32
      %sign3A_104 = arith.constant 0 : i32
      %sign3A_105 = arith.cmpi sgt, %add3A_101, %sign3A_104 : i32
      %sign3A_106 = arith.extui %sign3A_105 : i1 to i32
      %sign3A_107 = arith.constant 0 : i32
      %sign3A_108 = arith.cmpi slt, %add3A_101, %sign3A_107 : i32
      %sign3A_109 = arith.extui %sign3A_108 : i1 to i32
      %sign3A_110 = arith.subi %sign3A_106, %sign3A_109 : i32
      %sign3A_111 = arith.constant 0 : i32
      %sign3A_112 = arith.cmpi sgt, %jit3A_102, %sign3A_111 : i32
      %sign3A_113 = arith.extui %sign3A_112 : i1 to i32
      %sign3A_114 = arith.constant 0 : i32
      %sign3A_115 = arith.cmpi slt, %jit3A_102, %sign3A_114 : i32
      %sign3A_116 = arith.extui %sign3A_115 : i1 to i32
      %sign3A_117 = arith.subi %sign3A_113, %sign3A_116 : i32
      %ne3A_118 = arith.cmpi ne, %sign3A_110, %sign3A_117 : i32
      %rem3A_119 = arith.remsi %add3A_101, %jit3A_102 : i32
      %ne3A_120 = arith.constant 0 : i32
      %ne3A_121 = arith.cmpi ne, %rem3A_119, %ne3A_120 : i32
      %and3A_122 = arith.andi %ne3A_118, %ne3A_121 : i1
      %sub3A_123 = arith.constant 1 : i32
      %sub3A_124 = arith.subi %div3A_103, %sub3A_123 : i32
      %select_n3A_125 = arith.select %and3A_122, %sub3A_124, %div3A_103 : i32
      %dma_start3A_126 = arith.constant 0 : i32
      %dma_start3A_127 = tpu.memref_slice %arg2[%select_n3A_125, %dma_start3A_126] : memref<1600x512xi32, #tpu.memory_space<hbm>> -> memref<1x512xi32, #tpu.memory_space<hbm>>
      %dma_start3A_128 = arith.constant 0 : i32
      %dma_start3A_129 = tpu.memref_slice %arg2[%select_n3A_125, %dma_start3A_128] : memref<1600x512xi32, #tpu.memory_space<hbm>> -> memref<1x512xi32, #tpu.memory_space<hbm>>
      tpu.enqueue_dma source(%dma_start3A_129 : memref<1x512xi32, #tpu.memory_space<hbm>>) target(%arg7 : memref<1x512xi32, #tpu.memory_space<vmem>>) target_semaphore(%arg14 : memref<!tpu.dma_semaphore, #tpu.memory_space<semaphore_mem>>)
      %scan3A_130 = arith.constant 0 : i32
      %scan3A_131 = arith.constant 0 : i32
      %scan3A_132 = arith.constant 32 : i32
      %scan3A_133 = arith.addi %scan3A_131, %scan3A_132 : i32
      %scan3A_134 = arith.constant 1 : i32
      scf.for %scan3A_235 = %scan3A_131 to %scan3A_133 step %scan3A_134  : i32 {
        %mul3A_236 = arith.constant 16 : i32
        %mul3A_237 = arith.muli %scan3A_235, %mul3A_236 : i32
        %add3A_238 = vector.broadcast %mul3A_237 : i32 to vector<16xi32>
        %add3A_239 = arith.addi %iota3A, %add3A_238 : vector<16xi32>
        %mul3A_240 = arith.constant 16 : i32
        %mul3A_241 = arith.muli %scan3A_235, %mul3A_240 : i32
        %get3A = arith.constant 0 : i32
        %get3A_242 = arith.index_cast %get3A : i32 to index
        %get3A_243 = arith.index_cast %mul3A_241 : i32 to index
        %get3A_244 = tpu.vector_load %arg6[%get3A_242, %get3A_243] {strides = array<i32>} : memref<1x512xi32, #tpu.memory_space<vmem>>, vector<16xi32>,
        %rem3A_245 = arith.constant 50 : i32
        %rem3A_246 = vector.broadcast %rem3A_245 : i32 to vector<16xi32>
        %rem3A_247 = arith.remsi %get3A_244, %rem3A_246 : vector<16xi32>
        %broadcast_in_dim3A = arith.constant 0 : i32
        %broadcast_in_dim3A_248 = vector.broadcast %broadcast_in_dim3A : i32 to vector<16xi32>
        %gather3A = tpu.vector_load_idx %arg8[%rem3A_247, %broadcast_in_dim3A_248] : memref<50x32xf32, #tpu.memory_space<vmem>>[vector<16xi32>, vector<16xi32>], vector<16xf32>,
        tpu.vector_store_idx %arg11[%add3A_239, %broadcast_in_dim3A_248], %gather3A : memref<512x32xf32, #tpu.memory_space<vmem>>[vector<16xi32>, vector<16xi32>], vector<16xf32>,
        %broadcast_in_dim3A_249 = arith.constant 1 : i32
        %broadcast_in_dim3A_250 = vector.broadcast %broadcast_in_dim3A_249 : i32 to vector<16xi32>
        %gather3A_251 = tpu.vector_load_idx %arg8[%rem3A_247, %broadcast_in_dim3A_250] : memref<50x32xf32, #tpu.memory_space<vmem>>[vector<16xi32>, vector<16xi32>], vector<16xf32>,
        tpu.vector_store_idx %arg11[%add3A_239, %broadcast_in_dim3A_250], %gather3A_251 : memref<512x32xf32, #tpu.memory_space<vmem>>[vector<16xi32>, vector<16xi32>], vector<16xf32>,
        %broadcast_in_dim3A_252 = arith.constant 2 : i32
        %broadcast_in_dim3A_253 = vector.broadcast %broadcast_in_dim3A_252 : i32 to vector<16xi32>
        %gather3A_254 = tpu.vector_load_idx %arg8[%rem3A_247, %broadcast_in_dim3A_253] : memref<50x32xf32, #tpu.memory_space<vmem>>[vector<16xi32>, vector<16xi32>], vector<16xf32>,
        tpu.vector_store_idx %arg11[%add3A_239, %broadcast_in_dim3A_253], %gather3A_254 : memref<512x32xf32, #tpu.memory_space<vmem>>[vector<16xi32>, vector<16xi32>], vector<16xf32>,
        %broadcast_in_dim3A_255 = arith.constant 3 : i32
        %broadcast_in_dim3A_256 = vector.broadcast %broadcast_in_dim3A_255 : i32 to vector<16xi32>
        %gather3A_257 = tpu.vector_load_idx %arg8[%rem3A_247, %broadcast_in_dim3A_256] : memref<50x32xf32, #tpu.memory_space<vmem>>[vector<16xi32>, vector<16xi32>], vector<16xf32>,
        tpu.vector_store_idx %arg11[%add3A_239, %broadcast_in_dim3A_256], %gather3A_257 : memref<512x32xf32, #tpu.memory_space<vmem>>[vector<16xi32>, vector<16xi32>], vector<16xf32>,
        %broadcast_in_dim3A_258 = arith.constant 4 : i32
        %broadcast_in_dim3A_259 = vector.broadcast %broadcast_in_dim3A_258 : i32 to vector<16xi32>
        %gather3A_260 = tpu.vector_load_idx %arg8[%rem3A_247, %broadcast_in_dim3A_259] : memref<50x32xf32, #tpu.memory_space<vmem>>[vector<16xi32>, vector<16xi32>], vector<16xf32>,
        tpu.vector_store_idx %arg11[%add3A_239, %broadcast_in_dim3A_259], %gather3A_260 : memref<512x32xf32, #tpu.memory_space<vmem>>[vector<16xi32>, vector<16xi32>], vector<16xf32>,
        %broadcast_in_dim3A_261 = arith.constant 5 : i32
        %broadcast_in_dim3A_262 = vector.broadcast %broadcast_in_dim3A_261 : i32 to vector<16xi32>
        %gather3A_263 = tpu.vector_load_idx %arg8[%rem3A_247, %broadcast_in_dim3A_262] : memref<50x32xf32, #tpu.memory_space<vmem>>[vector<16xi32>, vector<16xi32>], vector<16xf32>,
        tpu.vector_store_idx %arg11[%add3A_239, %broadcast_in_dim3A_262], %gather3A_263 : memref<512x32xf32, #tpu.memory_space<vmem>>[vector<16xi32>, vector<16xi32>], vector<16xf32>,
        %broadcast_in_dim3A_264 = arith.constant 6 : i32
        %broadcast_in_dim3A_265 = vector.broadcast %broadcast_in_dim3A_264 : i32 to vector<16xi32>
        %gather3A_266 = tpu.vector_load_idx %arg8[%rem3A_247, %broadcast_in_dim3A_265] : memref<50x32xf32, #tpu.memory_space<vmem>>[vector<16xi32>, vector<16xi32>], vector<16xf32>,
        tpu.vector_store_idx %arg11[%add3A_239, %broadcast_in_dim3A_265], %gather3A_266 : memref<512x32xf32, #tpu.memory_space<vmem>>[vector<16xi32>, vector<16xi32>], vector<16xf32>,
        %broadcast_in_dim3A_267 = arith.constant 7 : i32
        %broadcast_in_dim3A_268 = vector.broadcast %broadcast_in_dim3A_267 : i32 to vector<16xi32>
        %gather3A_269 = tpu.vector_load_idx %arg8[%rem3A_247, %broadcast_in_dim3A_268] : memref<50x32xf32, #tpu.memory_space<vmem>>[vector<16xi32>, vector<16xi32>], vector<16xf32>,
        tpu.vector_store_idx %arg11[%add3A_239, %broadcast_in_dim3A_268], %gather3A_269 : memref<512x32xf32, #tpu.memory_space<vmem>>[vector<16xi32>, vector<16xi32>], vector<16xf32>,
        %broadcast_in_dim3A_270 = arith.constant 8 : i32
        %broadcast_in_dim3A_271 = vector.broadcast %broadcast_in_dim3A_270 : i32 to vector<16xi32>
        %gather3A_272 = tpu.vector_load_idx %arg8[%rem3A_247, %broadcast_in_dim3A_271] : memref<50x32xf32, #tpu.memory_space<vmem>>[vector<16xi32>, vector<16xi32>], vector<16xf32>,
        tpu.vector_store_idx %arg11[%add3A_239, %broadcast_in_dim3A_271], %gather3A_272 : memref<512x32xf32, #tpu.memory_space<vmem>>[vector<16xi32>, vector<16xi32>], vector<16xf32>,
        %broadcast_in_dim3A_273 = arith.constant 9 : i32
        %broadcast_in_dim3A_274 = vector.broadcast %broadcast_in_dim3A_273 : i32 to vector<16xi32>
        %gather3A_275 = tpu.vector_load_idx %arg8[%rem3A_247, %broadcast_in_dim3A_274] : memref<50x32xf32, #tpu.memory_space<vmem>>[vector<16xi32>, vector<16xi32>], vector<16xf32>,
        tpu.vector_store_idx %arg11[%add3A_239, %broadcast_in_dim3A_274], %gather3A_275 : memref<512x32xf32, #tpu.memory_space<vmem>>[vector<16xi32>, vector<16xi32>], vector<16xf32>,
        %broadcast_in_dim3A_276 = arith.constant 10 : i32
        %broadcast_in_dim3A_277 = vector.broadcast %broadcast_in_dim3A_276 : i32 to vector<16xi32>
        %gather3A_278 = tpu.vector_load_idx %arg8[%rem3A_247, %broadcast_in_dim3A_277] : memref<50x32xf32, #tpu.memory_space<vmem>>[vector<16xi32>, vector<16xi32>], vector<16xf32>,
        tpu.vector_store_idx %arg11[%add3A_239, %broadcast_in_dim3A_277], %gather3A_278 : memref<512x32xf32, #tpu.memory_space<vmem>>[vector<16xi32>, vector<16xi32>], vector<16xf32>,
        %broadcast_in_dim3A_279 = arith.constant 11 : i32
        %broadcast_in_dim3A_280 = vector.broadcast %broadcast_in_dim3A_279 : i32 to vector<16xi32>
        %gather3A_281 = tpu.vector_load_idx %arg8[%rem3A_247, %broadcast_in_dim3A_280] : memref<50x32xf32, #tpu.memory_space<vmem>>[vector<16xi32>, vector<16xi32>], vector<16xf32>,
        tpu.vector_store_idx %arg11[%add3A_239, %broadcast_in_dim3A_280], %gather3A_281 : memref<512x32xf32, #tpu.memory_space<vmem>>[vector<16xi32>, vector<16xi32>], vector<16xf32>,
        %broadcast_in_dim3A_282 = arith.constant 12 : i32
        %broadcast_in_dim3A_283 = vector.broadcast %broadcast_in_dim3A_282 : i32 to vector<16xi32>
        %gather3A_284 = tpu.vector_load_idx %arg8[%rem3A_247, %broadcast_in_dim3A_283] : memref<50x32xf32, #tpu.memory_space<vmem>>[vector<16xi32>, vector<16xi32>], vector<16xf32>,
        tpu.vector_store_idx %arg11[%add3A_239, %broadcast_in_dim3A_283], %gather3A_284 : memref<512x32xf32, #tpu.memory_space<vmem>>[vector<16xi32>, vector<16xi32>], vector<16xf32>,
        %broadcast_in_dim3A_285 = arith.constant 13 : i32
        %broadcast_in_dim3A_286 = vector.broadcast %broadcast_in_dim3A_285 : i32 to vector<16xi32>
        %gather3A_287 = tpu.vector_load_idx %arg8[%rem3A_247, %broadcast_in_dim3A_286] : memref<50x32xf32, #tpu.memory_space<vmem>>[vector<16xi32>, vector<16xi32>], vector<16xf32>,
        tpu.vector_store_idx %arg11[%add3A_239, %broadcast_in_dim3A_286], %gather3A_287 : memref<512x32xf32, #tpu.memory_space<vmem>>[vector<16xi32>, vector<16xi32>], vector<16xf32>,
        %broadcast_in_dim3A_288 = arith.constant 14 : i32
        %broadcast_in_dim3A_289 = vector.broadcast %broadcast_in_dim3A_288 : i32 to vector<16xi32>
        %gather3A_290 = tpu.vector_load_idx %arg8[%rem3A_247, %broadcast_in_dim3A_289] : memref<50x32xf32, #tpu.memory_space<vmem>>[vector<16xi32>, vector<16xi32>], vector<16xf32>,
        tpu.vector_store_idx %arg11[%add3A_239, %broadcast_in_dim3A_289], %gather3A_290 : memref<512x32xf32, #tpu.memory_space<vmem>>[vector<16xi32>, vector<16xi32>], vector<16xf32>,
        %broadcast_in_dim3A_291 = arith.constant 15 : i32
        %broadcast_in_dim3A_292 = vector.broadcast %broadcast_in_dim3A_291 : i32 to vector<16xi32>
        %gather3A_293 = tpu.vector_load_idx %arg8[%rem3A_247, %broadcast_in_dim3A_292] : memref<50x32xf32, #tpu.memory_space<vmem>>[vector<16xi32>, vector<16xi32>], vector<16xf32>,
        tpu.vector_store_idx %arg11[%add3A_239, %broadcast_in_dim3A_292], %gather3A_293 : memref<512x32xf32, #tpu.memory_space<vmem>>[vector<16xi32>, vector<16xi32>], vector<16xf32>,
        %broadcast_in_dim3A_294 = arith.constant 16 : i32
        %broadcast_in_dim3A_295 = vector.broadcast %broadcast_in_dim3A_294 : i32 to vector<16xi32>
        %gather3A_296 = tpu.vector_load_idx %arg8[%rem3A_247, %broadcast_in_dim3A_295] : memref<50x32xf32, #tpu.memory_space<vmem>>[vector<16xi32>, vector<16xi32>], vector<16xf32>,
        tpu.vector_store_idx %arg11[%add3A_239, %broadcast_in_dim3A_295], %gather3A_296 : memref<512x32xf32, #tpu.memory_space<vmem>>[vector<16xi32>, vector<16xi32>], vector<16xf32>,
        %broadcast_in_dim3A_297 = arith.constant 17 : i32
        %broadcast_in_dim3A_298 = vector.broadcast %broadcast_in_dim3A_297 : i32 to vector<16xi32>
        %gather3A_299 = tpu.vector_load_idx %arg8[%rem3A_247, %broadcast_in_dim3A_298] : memref<50x32xf32, #tpu.memory_space<vmem>>[vector<16xi32>, vector<16xi32>], vector<16xf32>,
        tpu.vector_store_idx %arg11[%add3A_239, %broadcast_in_dim3A_298], %gather3A_299 : memref<512x32xf32, #tpu.memory_space<vmem>>[vector<16xi32>, vector<16xi32>], vector<16xf32>,
        %broadcast_in_dim3A_300 = arith.constant 18 : i32
        %broadcast_in_dim3A_301 = vector.broadcast %broadcast_in_dim3A_300 : i32 to vector<16xi32>
        %gather3A_302 = tpu.vector_load_idx %arg8[%rem3A_247, %broadcast_in_dim3A_301] : memref<50x32xf32, #tpu.memory_space<vmem>>[vector<16xi32>, vector<16xi32>], vector<16xf32>,
        tpu.vector_store_idx %arg11[%add3A_239, %broadcast_in_dim3A_301], %gather3A_302 : memref<512x32xf32, #tpu.memory_space<vmem>>[vector<16xi32>, vector<16xi32>], vector<16xf32>,
        %broadcast_in_dim3A_303 = arith.constant 19 : i32
        %broadcast_in_dim3A_304 = vector.broadcast %broadcast_in_dim3A_303 : i32 to vector<16xi32>
        %gather3A_305 = tpu.vector_load_idx %arg8[%rem3A_247, %broadcast_in_dim3A_304] : memref<50x32xf32, #tpu.memory_space<vmem>>[vector<16xi32>, vector<16xi32>], vector<16xf32>,
        tpu.vector_store_idx %arg11[%add3A_239, %broadcast_in_dim3A_304], %gather3A_305 : memref<512x32xf32, #tpu.memory_space<vmem>>[vector<16xi32>, vector<16xi32>], vector<16xf32>,
        %broadcast_in_dim3A_306 = arith.constant 20 : i32
        %broadcast_in_dim3A_307 = vector.broadcast %broadcast_in_dim3A_306 : i32 to vector<16xi32>
        %gather3A_308 = tpu.vector_load_idx %arg8[%rem3A_247, %broadcast_in_dim3A_307] : memref<50x32xf32, #tpu.memory_space<vmem>>[vector<16xi32>, vector<16xi32>], vector<16xf32>,
        tpu.vector_store_idx %arg11[%add3A_239, %broadcast_in_dim3A_307], %gather3A_308 : memref<512x32xf32, #tpu.memory_space<vmem>>[vector<16xi32>, vector<16xi32>], vector<16xf32>,
        %broadcast_in_dim3A_309 = arith.constant 21 : i32
        %broadcast_in_dim3A_310 = vector.broadcast %broadcast_in_dim3A_309 : i32 to vector<16xi32>
        %gather3A_311 = tpu.vector_load_idx %arg8[%rem3A_247, %broadcast_in_dim3A_310] : memref<50x32xf32, #tpu.memory_space<vmem>>[vector<16xi32>, vector<16xi32>], vector<16xf32>,
        tpu.vector_store_idx %arg11[%add3A_239, %broadcast_in_dim3A_310], %gather3A_311 : memref<512x32xf32, #tpu.memory_space<vmem>>[vector<16xi32>, vector<16xi32>], vector<16xf32>,
        %broadcast_in_dim3A_312 = arith.constant 22 : i32
        %broadcast_in_dim3A_313 = vector.broadcast %broadcast_in_dim3A_312 : i32 to vector<16xi32>
        %gather3A_314 = tpu.vector_load_idx %arg8[%rem3A_247, %broadcast_in_dim3A_313] : memref<50x32xf32, #tpu.memory_space<vmem>>[vector<16xi32>, vector<16xi32>], vector<16xf32>,
        tpu.vector_store_idx %arg11[%add3A_239, %broadcast_in_dim3A_313], %gather3A_314 : memref<512x32xf32, #tpu.memory_space<vmem>>[vector<16xi32>, vector<16xi32>], vector<16xf32>,
        %broadcast_in_dim3A_315 = arith.constant 23 : i32
        %broadcast_in_dim3A_316 = vector.broadcast %broadcast_in_dim3A_315 : i32 to vector<16xi32>
        %gather3A_317 = tpu.vector_load_idx %arg8[%rem3A_247, %broadcast_in_dim3A_316] : memref<50x32xf32, #tpu.memory_space<vmem>>[vector<16xi32>, vector<16xi32>], vector<16xf32>,
        tpu.vector_store_idx %arg11[%add3A_239, %broadcast_in_dim3A_316], %gather3A_317 : memref<512x32xf32, #tpu.memory_space<vmem>>[vector<16xi32>, vector<16xi32>], vector<16xf32>,
        %broadcast_in_dim3A_318 = arith.constant 24 : i32
        %broadcast_in_dim3A_319 = vector.broadcast %broadcast_in_dim3A_318 : i32 to vector<16xi32>
        %gather3A_320 = tpu.vector_load_idx %arg8[%rem3A_247, %broadcast_in_dim3A_319] : memref<50x32xf32, #tpu.memory_space<vmem>>[vector<16xi32>, vector<16xi32>], vector<16xf32>,
        tpu.vector_store_idx %arg11[%add3A_239, %broadcast_in_dim3A_319], %gather3A_320 : memref<512x32xf32, #tpu.memory_space<vmem>>[vector<16xi32>, vector<16xi32>], vector<16xf32>,
        %broadcast_in_dim3A_321 = arith.constant 25 : i32
        %broadcast_in_dim3A_322 = vector.broadcast %broadcast_in_dim3A_321 : i32 to vector<16xi32>
        %gather3A_323 = tpu.vector_load_idx %arg8[%rem3A_247, %broadcast_in_dim3A_322] : memref<50x32xf32, #tpu.memory_space<vmem>>[vector<16xi32>, vector<16xi32>], vector<16xf32>,
        tpu.vector_store_idx %arg11[%add3A_239, %broadcast_in_dim3A_322], %gather3A_323 : memref<512x32xf32, #tpu.memory_space<vmem>>[vector<16xi32>, vector<16xi32>], vector<16xf32>,
        %broadcast_in_dim3A_324 = arith.constant 26 : i32
        %broadcast_in_dim3A_325 = vector.broadcast %broadcast_in_dim3A_324 : i32 to vector<16xi32>
        %gather3A_326 = tpu.vector_load_idx %arg8[%rem3A_247, %broadcast_in_dim3A_325] : memref<50x32xf32, #tpu.memory_space<vmem>>[vector<16xi32>, vector<16xi32>], vector<16xf32>,
        tpu.vector_store_idx %arg11[%add3A_239, %broadcast_in_dim3A_325], %gather3A_326 : memref<512x32xf32, #tpu.memory_space<vmem>>[vector<16xi32>, vector<16xi32>], vector<16xf32>,
        %broadcast_in_dim3A_327 = arith.constant 27 : i32
        %broadcast_in_dim3A_328 = vector.broadcast %broadcast_in_dim3A_327 : i32 to vector<16xi32>
        %gather3A_329 = tpu.vector_load_idx %arg8[%rem3A_247, %broadcast_in_dim3A_328] : memref<50x32xf32, #tpu.memory_space<vmem>>[vector<16xi32>, vector<16xi32>], vector<16xf32>,
        tpu.vector_store_idx %arg11[%add3A_239, %broadcast_in_dim3A_328], %gather3A_329 : memref<512x32xf32, #tpu.memory_space<vmem>>[vector<16xi32>, vector<16xi32>], vector<16xf32>,
        %broadcast_in_dim3A_330 = arith.constant 28 : i32
        %broadcast_in_dim3A_331 = vector.broadcast %broadcast_in_dim3A_330 : i32 to vector<16xi32>
        %gather3A_332 = tpu.vector_load_idx %arg8[%rem3A_247, %broadcast_in_dim3A_331] : memref<50x32xf32, #tpu.memory_space<vmem>>[vector<16xi32>, vector<16xi32>], vector<16xf32>,
        tpu.vector_store_idx %arg11[%add3A_239, %broadcast_in_dim3A_331], %gather3A_332 : memref<512x32xf32, #tpu.memory_space<vmem>>[vector<16xi32>, vector<16xi32>], vector<16xf32>,
        %broadcast_in_dim3A_333 = arith.constant 29 : i32
        %broadcast_in_dim3A_334 = vector.broadcast %broadcast_in_dim3A_333 : i32 to vector<16xi32>
        %gather3A_335 = tpu.vector_load_idx %arg8[%rem3A_247, %broadcast_in_dim3A_334] : memref<50x32xf32, #tpu.memory_space<vmem>>[vector<16xi32>, vector<16xi32>], vector<16xf32>,
        tpu.vector_store_idx %arg11[%add3A_239, %broadcast_in_dim3A_334], %gather3A_335 : memref<512x32xf32, #tpu.memory_space<vmem>>[vector<16xi32>, vector<16xi32>], vector<16xf32>,
        %broadcast_in_dim3A_336 = arith.constant 30 : i32
        %broadcast_in_dim3A_337 = vector.broadcast %broadcast_in_dim3A_336 : i32 to vector<16xi32>
        %gather3A_338 = tpu.vector_load_idx %arg8[%rem3A_247, %broadcast_in_dim3A_337] : memref<50x32xf32, #tpu.memory_space<vmem>>[vector<16xi32>, vector<16xi32>], vector<16xf32>,
        tpu.vector_store_idx %arg11[%add3A_239, %broadcast_in_dim3A_337], %gather3A_338 : memref<512x32xf32, #tpu.memory_space<vmem>>[vector<16xi32>, vector<16xi32>], vector<16xf32>,
        %broadcast_in_dim3A_339 = arith.constant 31 : i32
        %broadcast_in_dim3A_340 = vector.broadcast %broadcast_in_dim3A_339 : i32 to vector<16xi32>
        %gather3A_341 = tpu.vector_load_idx %arg8[%rem3A_247, %broadcast_in_dim3A_340] : memref<50x32xf32, #tpu.memory_space<vmem>>[vector<16xi32>, vector<16xi32>], vector<16xf32>,
        tpu.vector_store_idx %arg11[%add3A_239, %broadcast_in_dim3A_340], %gather3A_341 : memref<512x32xf32, #tpu.memory_space<vmem>>[vector<16xi32>, vector<16xi32>], vector<16xf32>,
      }
      %scan3A_135 = arith.constant 32 : i32
      %dma_wait3A_136 = arith.constant 0 : i32
      %dma_wait3A_137 = arith.constant 0 : i32
      %dma_wait3A_138 = tpu.memref_slice %arg6[%dma_wait3A_136, %dma_wait3A_137] : memref<1x512xi32, #tpu.memory_space<vmem>> -> memref<1x512xi32, #tpu.memory_space<vmem>>
      %dma_wait3A_139 = tpu.memref_squeeze %dma_wait3A_138 : memref<1x512xi32, #tpu.memory_space<vmem>> -> memref<512xi32, #tpu.memory_space<vmem>>
      %dma_wait3A_140 = arith.constant 0 : i32
      %dma_wait3A_141 = arith.constant 0 : i32
      %dma_wait3A_142 = tpu.memref_slice %arg3[%dma_wait3A_140, %dma_wait3A_141] : memref<1000000x64xf32, #tpu.memory_space<hbm>> -> memref<1000000x64xf32, #tpu.memory_space<hbm>>
      tpu.wait_indirect_dma semaphore(%arg15 : memref<!tpu.dma_semaphore, #tpu.memory_space<semaphore_mem>>) src(%dma_wait3A_142 : memref<1000000x64xf32, #tpu.memory_space<hbm>>) dst(%arg9 : memref<512x64xf32, #tpu.memory_space<vmem>>)
      %mul3A_143 = arith.constant 512 : i32
      %mul3A_144 = arith.muli %add3A_56, %mul3A_143 : i32
      %add3A_145 = arith.addi %mul3A_2, %mul3A_144 : i32
      %dma_start3A_146 = arith.constant 0 : i32
      %dma_start3A_147 = tpu.memref_slice %arg5[%add3A_145, %dma_start3A_146] : memref<819200x96xf32, #tpu.memory_space<hbm>> -> memref<512x64xf32, #tpu.memory_space<hbm>>
      %dma_start3A_148 = arith.constant 0 : i32
      %dma_start3A_149 = tpu.memref_slice %arg5[%add3A_145, %dma_start3A_148] : memref<819200x96xf32, #tpu.memory_space<hbm>> -> memref<512x64xf32, #tpu.memory_space<hbm>>
      tpu.enqueue_dma source(%arg9 : memref<512x64xf32, #tpu.memory_space<vmem>>) target(%dma_start3A_149 : memref<512x64xf32, #tpu.memory_space<hbm>>) target_semaphore(%arg17 : memref<!tpu.dma_semaphore, #tpu.memory_space<semaphore_mem>>)
      %mul3A_150 = arith.constant 512 : i32
      %mul3A_151 = arith.muli %add3A_56, %mul3A_150 : i32
      %add3A_152 = arith.addi %mul3A_2, %mul3A_151 : i32
      %dma_start3A_153 = arith.constant 64 : i32
      %dma_start3A_154 = tpu.memref_slice %arg5[%add3A_152, %dma_start3A_153] : memref<819200x96xf32, #tpu.memory_space<hbm>> -> memref<512x32xf32, #tpu.memory_space<hbm>>
      %dma_start3A_155 = arith.constant 64 : i32
      %dma_start3A_156 = tpu.memref_slice %arg5[%add3A_152, %dma_start3A_155] : memref<819200x96xf32, #tpu.memory_space<hbm>> -> memref<512x32xf32, #tpu.memory_space<hbm>>
      tpu.enqueue_dma source(%arg11 : memref<512x32xf32, #tpu.memory_space<vmem>>) target(%dma_start3A_156 : memref<512x32xf32, #tpu.memory_space<hbm>>) target_semaphore(%arg17 : memref<!tpu.dma_semaphore, #tpu.memory_space<semaphore_mem>>)
      %mul3A_157 = arith.constant 2 : i32
      %mul3A_158 = arith.muli %scan3A_52, %mul3A_157 : i32
      %add3A_159 = arith.constant 1 : i32
      %add3A_160 = arith.addi %mul3A_158, %add3A_159 : i32
      %mul3A_161 = arith.constant 512 : i32
      %mul3A_162 = arith.muli %add3A_160, %mul3A_161 : i32
      %add3A_163 = arith.addi %mul3A_2, %mul3A_162 : i32
      %jit3A_164 = arith.constant 512 : i32
      %div3A_165 = arith.divsi %add3A_163, %jit3A_164 : i32
      %sign3A_166 = arith.constant 0 : i32
      %sign3A_167 = arith.cmpi sgt, %add3A_163, %sign3A_166 : i32
      %sign3A_168 = arith.extui %sign3A_167 : i1 to i32
      %sign3A_169 = arith.constant 0 : i32
      %sign3A_170 = arith.cmpi slt, %add3A_163, %sign3A_169 : i32
      %sign3A_171 = arith.extui %sign3A_170 : i1 to i32
      %sign3A_172 = arith.subi %sign3A_168, %sign3A_171 : i32
      %sign3A_173 = arith.constant 0 : i32
      %sign3A_174 = arith.cmpi sgt, %jit3A_164, %sign3A_173 : i32
      %sign3A_175 = arith.extui %sign3A_174 : i1 to i32
      %sign3A_176 = arith.constant 0 : i32
      %sign3A_177 = arith.cmpi slt, %jit3A_164, %sign3A_176 : i32
      %sign3A_178 = arith.extui %sign3A_177 : i1 to i32
      %sign3A_179 = arith.subi %sign3A_175, %sign3A_178 : i32
      %ne3A_180 = arith.cmpi ne, %sign3A_172, %sign3A_179 : i32
      %rem3A_181 = arith.remsi %add3A_163, %jit3A_164 : i32
      %ne3A_182 = arith.constant 0 : i32
      %ne3A_183 = arith.cmpi ne, %rem3A_181, %ne3A_182 : i32
      %and3A_184 = arith.andi %ne3A_180, %ne3A_183 : i1
      %sub3A_185 = arith.constant 1 : i32
      %sub3A_186 = arith.subi %div3A_165, %sub3A_185 : i32
      %select_n3A_187 = arith.select %and3A_184, %sub3A_186, %div3A_165 : i32
      %dma_wait3A_188 = arith.constant 0 : i32
      %dma_wait3A_189 = tpu.memref_slice %arg2[%select_n3A_187, %dma_wait3A_188] : memref<1600x512xi32, #tpu.memory_space<hbm>> -> memref<1x512xi32, #tpu.memory_space<hbm>>
      %dma_wait3A_190 = arith.constant 0 : i32
      %dma_wait3A_191 = tpu.memref_slice %arg2[%select_n3A_187, %dma_wait3A_190] : memref<1600x512xi32, #tpu.memory_space<hbm>> -> memref<1x512xi32, #tpu.memory_space<hbm>>
      tpu.wait_dma2 semaphore(%arg14 : memref<!tpu.dma_semaphore, #tpu.memory_space<semaphore_mem>>) src(%dma_wait3A_191 : memref<1x512xi32, #tpu.memory_space<hbm>>) dst(%arg7 : memref<1x512xi32, #tpu.memory_space<vmem>>)
      %gt3A_192 = arith.constant 0 : i32
      %gt3A_193 = arith.cmpi sgt, %scan3A_52, %gt3A_192 : i32
      %convert_element_type3A_194 = arith.extui %gt3A_193 : i1 to i32
      %cond3A_195 = arith.constant 0 : i32
      %cond3A_196 = arith.cmpi ne, %convert_element_type3A_194, %cond3A_195 : i32
      scf.if %cond3A_196 {
        %mul3A_235 = arith.constant 512 : i32
        %mul3A_236 = arith.muli %add3A_160, %mul3A_235 : i32
        %add3A_237 = arith.addi %mul3A_2, %mul3A_236 : i32
        %dma_wait3A_238 = arith.constant 0 : i32
        %dma_wait3A_239 = tpu.memref_slice %arg5[%add3A_237, %dma_wait3A_238] : memref<819200x96xf32, #tpu.memory_space<hbm>> -> memref<512x64xf32, #tpu.memory_space<hbm>>
        %dma_wait3A_240 = arith.constant 0 : i32
        %dma_wait3A_241 = tpu.memref_slice %arg5[%add3A_237, %dma_wait3A_240] : memref<819200x96xf32, #tpu.memory_space<hbm>> -> memref<512x64xf32, #tpu.memory_space<hbm>>
        tpu.wait_dma2 semaphore(%arg18 : memref<!tpu.dma_semaphore, #tpu.memory_space<semaphore_mem>>) src(%arg10 : memref<512x64xf32, #tpu.memory_space<vmem>>) dst(%dma_wait3A_241 : memref<512x64xf32, #tpu.memory_space<hbm>>)
        %mul3A_242 = arith.constant 512 : i32
        %mul3A_243 = arith.muli %add3A_160, %mul3A_242 : i32
        %add3A_244 = arith.addi %mul3A_2, %mul3A_243 : i32
        %dma_wait3A_245 = arith.constant 64 : i32
        %dma_wait3A_246 = tpu.memref_slice %arg5[%add3A_244, %dma_wait3A_245] : memref<819200x96xf32, #tpu.memory_space<hbm>> -> memref<512x32xf32, #tpu.memory_space<hbm>>
        %dma_wait3A_247 = arith.constant 64 : i32
        %dma_wait3A_248 = tpu.memref_slice %arg5[%add3A_244, %dma_wait3A_247] : memref<819200x96xf32, #tpu.memory_space<hbm>> -> memref<512x32xf32, #tpu.memory_space<hbm>>
        tpu.wait_dma2 semaphore(%arg18 : memref<!tpu.dma_semaphore, #tpu.memory_space<semaphore_mem>>) src(%arg12 : memref<512x32xf32, #tpu.memory_space<vmem>>) dst(%dma_wait3A_248 : memref<512x32xf32, #tpu.memory_space<hbm>>)
      } else {
      }
      %dma_start3A_197 = arith.constant 0 : i32
      %dma_start3A_198 = arith.constant 0 : i32
      %dma_start3A_199 = tpu.memref_slice %arg7[%dma_start3A_197, %dma_start3A_198] : memref<1x512xi32, #tpu.memory_space<vmem>> -> memref<1x512xi32, #tpu.memory_space<vmem>>
      %dma_start3A_200 = tpu.memref_squeeze %dma_start3A_199 : memref<1x512xi32, #tpu.memory_space<vmem>> -> memref<512xi32, #tpu.memory_space<vmem>>
      %dma_start3A_201 = arith.constant 0 : i32
      %dma_start3A_202 = arith.constant 0 : i32
      %dma_start3A_203 = tpu.memref_slice %arg3[%dma_start3A_201, %dma_start3A_202] : memref<1000000x64xf32, #tpu.memory_space<hbm>> -> memref<1000000x64xf32, #tpu.memory_space<hbm>>
      tpu.enqueue_indirect_dma source(%dma_start3A_203 : memref<1000000x64xf32, #tpu.memory_space<hbm>>) target(%arg10 : memref<512x64xf32, #tpu.memory_space<vmem>>) offsets(%dma_start3A_200 : memref<512xi32, #tpu.memory_space<vmem>>) semaphore(%arg16 : memref<!tpu.dma_semaphore, #tpu.memory_space<semaphore_mem>>)
      %lt3A = arith.constant 24 : i32
      %lt3A_204 = arith.cmpi slt, %scan3A_52, %lt3A : i32
      %convert_element_type3A_205 = arith.extui %lt3A_204 : i1 to i32
      %cond3A_206 = arith.constant 0 : i32
      %cond3A_207 = arith.cmpi ne, %convert_element_type3A_205, %cond3A_206 : i32
      scf.if %cond3A_207 {
        %add3A_235 = arith.constant 1 : i32
        %add3A_236 = arith.addi %add3A_160, %add3A_235 : i32
        %mul3A_237 = arith.constant 512 : i32
        %mul3A_238 = arith.muli %add3A_236, %mul3A_237 : i32
        %add3A_239 = arith.addi %mul3A_2, %mul3A_238 : i32
        %jit3A_240 = arith.constant 512 : i32
        %div3A_241 = arith.divsi %add3A_239, %jit3A_240 : i32
        %sign3A_242 = arith.constant 0 : i32
        %sign3A_243 = arith.cmpi sgt, %add3A_239, %sign3A_242 : i32
        %sign3A_244 = arith.extui %sign3A_243 : i1 to i32
        %sign3A_245 = arith.constant 0 : i32
        %sign3A_246 = arith.cmpi slt, %add3A_239, %sign3A_245 : i32
        %sign3A_247 = arith.extui %sign3A_246 : i1 to i32
        %sign3A_248 = arith.subi %sign3A_244, %sign3A_247 : i32
        %sign3A_249 = arith.constant 0 : i32
        %sign3A_250 = arith.cmpi sgt, %jit3A_240, %sign3A_249 : i32
        %sign3A_251 = arith.extui %sign3A_250 : i1 to i32
        %sign3A_252 = arith.constant 0 : i32
        %sign3A_253 = arith.cmpi slt, %jit3A_240, %sign3A_252 : i32
        %sign3A_254 = arith.extui %sign3A_253 : i1 to i32
        %sign3A_255 = arith.subi %sign3A_251, %sign3A_254 : i32
        %ne3A_256 = arith.cmpi ne, %sign3A_248, %sign3A_255 : i32
        %rem3A_257 = arith.remsi %add3A_239, %jit3A_240 : i32
        %ne3A_258 = arith.constant 0 : i32
        %ne3A_259 = arith.cmpi ne, %rem3A_257, %ne3A_258 : i32
        %and3A_260 = arith.andi %ne3A_256, %ne3A_259 : i1
        %sub3A_261 = arith.constant 1 : i32
        %sub3A_262 = arith.subi %div3A_241, %sub3A_261 : i32
        %select_n3A_263 = arith.select %and3A_260, %sub3A_262, %div3A_241 : i32
        %dma_start3A_264 = arith.constant 0 : i32
        %dma_start3A_265 = tpu.memref_slice %arg2[%select_n3A_263, %dma_start3A_264] : memref<1600x512xi32, #tpu.memory_space<hbm>> -> memref<1x512xi32, #tpu.memory_space<hbm>>
        %dma_start3A_266 = arith.constant 0 : i32
        %dma_start3A_267 = tpu.memref_slice %arg2[%select_n3A_263, %dma_start3A_266] : memref<1600x512xi32, #tpu.memory_space<hbm>> -> memref<1x512xi32, #tpu.memory_space<hbm>>
        tpu.enqueue_dma source(%dma_start3A_267 : memref<1x512xi32, #tpu.memory_space<hbm>>) target(%arg6 : memref<1x512xi32, #tpu.memory_space<vmem>>) target_semaphore(%arg13 : memref<!tpu.dma_semaphore, #tpu.memory_space<semaphore_mem>>)
      } else {
      }
      %scan3A_208 = arith.constant 0 : i32
      %scan3A_209 = arith.constant 0 : i32
      %scan3A_210 = arith.constant 32 : i32
      %scan3A_211 = arith.addi %scan3A_209, %scan3A_210 : i32
      %scan3A_212 = arith.constant 1 : i32
      scf.for %scan3A_235 = %scan3A_209 to %scan3A_211 step %scan3A_212  : i32 {
        %mul3A_236 = arith.constant 16 : i32
        %mul3A_237 = arith.muli %scan3A_235, %mul3A_236 : i32
        %add3A_238 = vector.broadcast %mul3A_237 : i32 to vector<16xi32>
        %add3A_239 = arith.addi %iota3A, %add3A_238 : vector<16xi32>
        %mul3A_240 = arith.constant 16 : i32
        %mul3A_241 = arith.muli %scan3A_235, %mul3A_240 : i32
        %get3A = arith.constant 0 : i32
        %get3A_242 = arith.index_cast %get3A : i32 to index
        %get3A_243 = arith.index_cast %mul3A_241 : i32 to index
        %get3A_244 = tpu.vector_load %arg7[%get3A_242, %get3A_243] {strides = array<i32>} : memref<1x512xi32, #tpu.memory_space<vmem>>, vector<16xi32>,
        %rem3A_245 = arith.constant 50 : i32
        %rem3A_246 = vector.broadcast %rem3A_245 : i32 to vector<16xi32>
        %rem3A_247 = arith.remsi %get3A_244, %rem3A_246 : vector<16xi32>
        %broadcast_in_dim3A = arith.constant 0 : i32
        %broadcast_in_dim3A_248 = vector.broadcast %broadcast_in_dim3A : i32 to vector<16xi32>
        %gather3A = tpu.vector_load_idx %arg8[%rem3A_247, %broadcast_in_dim3A_248] : memref<50x32xf32, #tpu.memory_space<vmem>>[vector<16xi32>, vector<16xi32>], vector<16xf32>,
        tpu.vector_store_idx %arg12[%add3A_239, %broadcast_in_dim3A_248], %gather3A : memref<512x32xf32, #tpu.memory_space<vmem>>[vector<16xi32>, vector<16xi32>], vector<16xf32>,
        %broadcast_in_dim3A_249 = arith.constant 1 : i32
        %broadcast_in_dim3A_250 = vector.broadcast %broadcast_in_dim3A_249 : i32 to vector<16xi32>
        %gather3A_251 = tpu.vector_load_idx %arg8[%rem3A_247, %broadcast_in_dim3A_250] : memref<50x32xf32, #tpu.memory_space<vmem>>[vector<16xi32>, vector<16xi32>], vector<16xf32>,
        tpu.vector_store_idx %arg12[%add3A_239, %broadcast_in_dim3A_250], %gather3A_251 : memref<512x32xf32, #tpu.memory_space<vmem>>[vector<16xi32>, vector<16xi32>], vector<16xf32>,
        %broadcast_in_dim3A_252 = arith.constant 2 : i32
        %broadcast_in_dim3A_253 = vector.broadcast %broadcast_in_dim3A_252 : i32 to vector<16xi32>
        %gather3A_254 = tpu.vector_load_idx %arg8[%rem3A_247, %broadcast_in_dim3A_253] : memref<50x32xf32, #tpu.memory_space<vmem>>[vector<16xi32>, vector<16xi32>], vector<16xf32>,
        tpu.vector_store_idx %arg12[%add3A_239, %broadcast_in_dim3A_253], %gather3A_254 : memref<512x32xf32, #tpu.memory_space<vmem>>[vector<16xi32>, vector<16xi32>], vector<16xf32>,
        %broadcast_in_dim3A_255 = arith.constant 3 : i32
        %broadcast_in_dim3A_256 = vector.broadcast %broadcast_in_dim3A_255 : i32 to vector<16xi32>
        %gather3A_257 = tpu.vector_load_idx %arg8[%rem3A_247, %broadcast_in_dim3A_256] : memref<50x32xf32, #tpu.memory_space<vmem>>[vector<16xi32>, vector<16xi32>], vector<16xf32>,
        tpu.vector_store_idx %arg12[%add3A_239, %broadcast_in_dim3A_256], %gather3A_257 : memref<512x32xf32, #tpu.memory_space<vmem>>[vector<16xi32>, vector<16xi32>], vector<16xf32>,
        %broadcast_in_dim3A_258 = arith.constant 4 : i32
        %broadcast_in_dim3A_259 = vector.broadcast %broadcast_in_dim3A_258 : i32 to vector<16xi32>
        %gather3A_260 = tpu.vector_load_idx %arg8[%rem3A_247, %broadcast_in_dim3A_259] : memref<50x32xf32, #tpu.memory_space<vmem>>[vector<16xi32>, vector<16xi32>], vector<16xf32>,
        tpu.vector_store_idx %arg12[%add3A_239, %broadcast_in_dim3A_259], %gather3A_260 : memref<512x32xf32, #tpu.memory_space<vmem>>[vector<16xi32>, vector<16xi32>], vector<16xf32>,
        %broadcast_in_dim3A_261 = arith.constant 5 : i32
        %broadcast_in_dim3A_262 = vector.broadcast %broadcast_in_dim3A_261 : i32 to vector<16xi32>
        %gather3A_263 = tpu.vector_load_idx %arg8[%rem3A_247, %broadcast_in_dim3A_262] : memref<50x32xf32, #tpu.memory_space<vmem>>[vector<16xi32>, vector<16xi32>], vector<16xf32>,
        tpu.vector_store_idx %arg12[%add3A_239, %broadcast_in_dim3A_262], %gather3A_263 : memref<512x32xf32, #tpu.memory_space<vmem>>[vector<16xi32>, vector<16xi32>], vector<16xf32>,
        %broadcast_in_dim3A_264 = arith.constant 6 : i32
        %broadcast_in_dim3A_265 = vector.broadcast %broadcast_in_dim3A_264 : i32 to vector<16xi32>
        %gather3A_266 = tpu.vector_load_idx %arg8[%rem3A_247, %broadcast_in_dim3A_265] : memref<50x32xf32, #tpu.memory_space<vmem>>[vector<16xi32>, vector<16xi32>], vector<16xf32>,
        tpu.vector_store_idx %arg12[%add3A_239, %broadcast_in_dim3A_265], %gather3A_266 : memref<512x32xf32, #tpu.memory_space<vmem>>[vector<16xi32>, vector<16xi32>], vector<16xf32>,
        %broadcast_in_dim3A_267 = arith.constant 7 : i32
        %broadcast_in_dim3A_268 = vector.broadcast %broadcast_in_dim3A_267 : i32 to vector<16xi32>
        %gather3A_269 = tpu.vector_load_idx %arg8[%rem3A_247, %broadcast_in_dim3A_268] : memref<50x32xf32, #tpu.memory_space<vmem>>[vector<16xi32>, vector<16xi32>], vector<16xf32>,
        tpu.vector_store_idx %arg12[%add3A_239, %broadcast_in_dim3A_268], %gather3A_269 : memref<512x32xf32, #tpu.memory_space<vmem>>[vector<16xi32>, vector<16xi32>], vector<16xf32>,
        %broadcast_in_dim3A_270 = arith.constant 8 : i32
        %broadcast_in_dim3A_271 = vector.broadcast %broadcast_in_dim3A_270 : i32 to vector<16xi32>
        %gather3A_272 = tpu.vector_load_idx %arg8[%rem3A_247, %broadcast_in_dim3A_271] : memref<50x32xf32, #tpu.memory_space<vmem>>[vector<16xi32>, vector<16xi32>], vector<16xf32>,
        tpu.vector_store_idx %arg12[%add3A_239, %broadcast_in_dim3A_271], %gather3A_272 : memref<512x32xf32, #tpu.memory_space<vmem>>[vector<16xi32>, vector<16xi32>], vector<16xf32>,
        %broadcast_in_dim3A_273 = arith.constant 9 : i32
        %broadcast_in_dim3A_274 = vector.broadcast %broadcast_in_dim3A_273 : i32 to vector<16xi32>
        %gather3A_275 = tpu.vector_load_idx %arg8[%rem3A_247, %broadcast_in_dim3A_274] : memref<50x32xf32, #tpu.memory_space<vmem>>[vector<16xi32>, vector<16xi32>], vector<16xf32>,
        tpu.vector_store_idx %arg12[%add3A_239, %broadcast_in_dim3A_274], %gather3A_275 : memref<512x32xf32, #tpu.memory_space<vmem>>[vector<16xi32>, vector<16xi32>], vector<16xf32>,
        %broadcast_in_dim3A_276 = arith.constant 10 : i32
        %broadcast_in_dim3A_277 = vector.broadcast %broadcast_in_dim3A_276 : i32 to vector<16xi32>
        %gather3A_278 = tpu.vector_load_idx %arg8[%rem3A_247, %broadcast_in_dim3A_277] : memref<50x32xf32, #tpu.memory_space<vmem>>[vector<16xi32>, vector<16xi32>], vector<16xf32>,
        tpu.vector_store_idx %arg12[%add3A_239, %broadcast_in_dim3A_277], %gather3A_278 : memref<512x32xf32, #tpu.memory_space<vmem>>[vector<16xi32>, vector<16xi32>], vector<16xf32>,
        %broadcast_in_dim3A_279 = arith.constant 11 : i32
        %broadcast_in_dim3A_280 = vector.broadcast %broadcast_in_dim3A_279 : i32 to vector<16xi32>
        %gather3A_281 = tpu.vector_load_idx %arg8[%rem3A_247, %broadcast_in_dim3A_280] : memref<50x32xf32, #tpu.memory_space<vmem>>[vector<16xi32>, vector<16xi32>], vector<16xf32>,
        tpu.vector_store_idx %arg12[%add3A_239, %broadcast_in_dim3A_280], %gather3A_281 : memref<512x32xf32, #tpu.memory_space<vmem>>[vector<16xi32>, vector<16xi32>], vector<16xf32>,
        %broadcast_in_dim3A_282 = arith.constant 12 : i32
        %broadcast_in_dim3A_283 = vector.broadcast %broadcast_in_dim3A_282 : i32 to vector<16xi32>
        %gather3A_284 = tpu.vector_load_idx %arg8[%rem3A_247, %broadcast_in_dim3A_283] : memref<50x32xf32, #tpu.memory_space<vmem>>[vector<16xi32>, vector<16xi32>], vector<16xf32>,
        tpu.vector_store_idx %arg12[%add3A_239, %broadcast_in_dim3A_283], %gather3A_284 : memref<512x32xf32, #tpu.memory_space<vmem>>[vector<16xi32>, vector<16xi32>], vector<16xf32>,
        %broadcast_in_dim3A_285 = arith.constant 13 : i32
        %broadcast_in_dim3A_286 = vector.broadcast %broadcast_in_dim3A_285 : i32 to vector<16xi32>
        %gather3A_287 = tpu.vector_load_idx %arg8[%rem3A_247, %broadcast_in_dim3A_286] : memref<50x32xf32, #tpu.memory_space<vmem>>[vector<16xi32>, vector<16xi32>], vector<16xf32>,
        tpu.vector_store_idx %arg12[%add3A_239, %broadcast_in_dim3A_286], %gather3A_287 : memref<512x32xf32, #tpu.memory_space<vmem>>[vector<16xi32>, vector<16xi32>], vector<16xf32>,
        %broadcast_in_dim3A_288 = arith.constant 14 : i32
        %broadcast_in_dim3A_289 = vector.broadcast %broadcast_in_dim3A_288 : i32 to vector<16xi32>
        %gather3A_290 = tpu.vector_load_idx %arg8[%rem3A_247, %broadcast_in_dim3A_289] : memref<50x32xf32, #tpu.memory_space<vmem>>[vector<16xi32>, vector<16xi32>], vector<16xf32>,
        tpu.vector_store_idx %arg12[%add3A_239, %broadcast_in_dim3A_289], %gather3A_290 : memref<512x32xf32, #tpu.memory_space<vmem>>[vector<16xi32>, vector<16xi32>], vector<16xf32>,
        %broadcast_in_dim3A_291 = arith.constant 15 : i32
        %broadcast_in_dim3A_292 = vector.broadcast %broadcast_in_dim3A_291 : i32 to vector<16xi32>
        %gather3A_293 = tpu.vector_load_idx %arg8[%rem3A_247, %broadcast_in_dim3A_292] : memref<50x32xf32, #tpu.memory_space<vmem>>[vector<16xi32>, vector<16xi32>], vector<16xf32>,
        tpu.vector_store_idx %arg12[%add3A_239, %broadcast_in_dim3A_292], %gather3A_293 : memref<512x32xf32, #tpu.memory_space<vmem>>[vector<16xi32>, vector<16xi32>], vector<16xf32>,
        %broadcast_in_dim3A_294 = arith.constant 16 : i32
        %broadcast_in_dim3A_295 = vector.broadcast %broadcast_in_dim3A_294 : i32 to vector<16xi32>
        %gather3A_296 = tpu.vector_load_idx %arg8[%rem3A_247, %broadcast_in_dim3A_295] : memref<50x32xf32, #tpu.memory_space<vmem>>[vector<16xi32>, vector<16xi32>], vector<16xf32>,
        tpu.vector_store_idx %arg12[%add3A_239, %broadcast_in_dim3A_295], %gather3A_296 : memref<512x32xf32, #tpu.memory_space<vmem>>[vector<16xi32>, vector<16xi32>], vector<16xf32>,
        %broadcast_in_dim3A_297 = arith.constant 17 : i32
        %broadcast_in_dim3A_298 = vector.broadcast %broadcast_in_dim3A_297 : i32 to vector<16xi32>
        %gather3A_299 = tpu.vector_load_idx %arg8[%rem3A_247, %broadcast_in_dim3A_298] : memref<50x32xf32, #tpu.memory_space<vmem>>[vector<16xi32>, vector<16xi32>], vector<16xf32>,
        tpu.vector_store_idx %arg12[%add3A_239, %broadcast_in_dim3A_298], %gather3A_299 : memref<512x32xf32, #tpu.memory_space<vmem>>[vector<16xi32>, vector<16xi32>], vector<16xf32>,
        %broadcast_in_dim3A_300 = arith.constant 18 : i32
        %broadcast_in_dim3A_301 = vector.broadcast %broadcast_in_dim3A_300 : i32 to vector<16xi32>
        %gather3A_302 = tpu.vector_load_idx %arg8[%rem3A_247, %broadcast_in_dim3A_301] : memref<50x32xf32, #tpu.memory_space<vmem>>[vector<16xi32>, vector<16xi32>], vector<16xf32>,
        tpu.vector_store_idx %arg12[%add3A_239, %broadcast_in_dim3A_301], %gather3A_302 : memref<512x32xf32, #tpu.memory_space<vmem>>[vector<16xi32>, vector<16xi32>], vector<16xf32>,
        %broadcast_in_dim3A_303 = arith.constant 19 : i32
        %broadcast_in_dim3A_304 = vector.broadcast %broadcast_in_dim3A_303 : i32 to vector<16xi32>
        %gather3A_305 = tpu.vector_load_idx %arg8[%rem3A_247, %broadcast_in_dim3A_304] : memref<50x32xf32, #tpu.memory_space<vmem>>[vector<16xi32>, vector<16xi32>], vector<16xf32>,
        tpu.vector_store_idx %arg12[%add3A_239, %broadcast_in_dim3A_304], %gather3A_305 : memref<512x32xf32, #tpu.memory_space<vmem>>[vector<16xi32>, vector<16xi32>], vector<16xf32>,
        %broadcast_in_dim3A_306 = arith.constant 20 : i32
        %broadcast_in_dim3A_307 = vector.broadcast %broadcast_in_dim3A_306 : i32 to vector<16xi32>
        %gather3A_308 = tpu.vector_load_idx %arg8[%rem3A_247, %broadcast_in_dim3A_307] : memref<50x32xf32, #tpu.memory_space<vmem>>[vector<16xi32>, vector<16xi32>], vector<16xf32>,
        tpu.vector_store_idx %arg12[%add3A_239, %broadcast_in_dim3A_307], %gather3A_308 : memref<512x32xf32, #tpu.memory_space<vmem>>[vector<16xi32>, vector<16xi32>], vector<16xf32>,
        %broadcast_in_dim3A_309 = arith.constant 21 : i32
        %broadcast_in_dim3A_310 = vector.broadcast %broadcast_in_dim3A_309 : i32 to vector<16xi32>
        %gather3A_311 = tpu.vector_load_idx %arg8[%rem3A_247, %broadcast_in_dim3A_310] : memref<50x32xf32, #tpu.memory_space<vmem>>[vector<16xi32>, vector<16xi32>], vector<16xf32>,
        tpu.vector_store_idx %arg12[%add3A_239, %broadcast_in_dim3A_310], %gather3A_311 : memref<512x32xf32, #tpu.memory_space<vmem>>[vector<16xi32>, vector<16xi32>], vector<16xf32>,
        %broadcast_in_dim3A_312 = arith.constant 22 : i32
        %broadcast_in_dim3A_313 = vector.broadcast %broadcast_in_dim3A_312 : i32 to vector<16xi32>
        %gather3A_314 = tpu.vector_load_idx %arg8[%rem3A_247, %broadcast_in_dim3A_313] : memref<50x32xf32, #tpu.memory_space<vmem>>[vector<16xi32>, vector<16xi32>], vector<16xf32>,
        tpu.vector_store_idx %arg12[%add3A_239, %broadcast_in_dim3A_313], %gather3A_314 : memref<512x32xf32, #tpu.memory_space<vmem>>[vector<16xi32>, vector<16xi32>], vector<16xf32>,
        %broadcast_in_dim3A_315 = arith.constant 23 : i32
        %broadcast_in_dim3A_316 = vector.broadcast %broadcast_in_dim3A_315 : i32 to vector<16xi32>
        %gather3A_317 = tpu.vector_load_idx %arg8[%rem3A_247, %broadcast_in_dim3A_316] : memref<50x32xf32, #tpu.memory_space<vmem>>[vector<16xi32>, vector<16xi32>], vector<16xf32>,
        tpu.vector_store_idx %arg12[%add3A_239, %broadcast_in_dim3A_316], %gather3A_317 : memref<512x32xf32, #tpu.memory_space<vmem>>[vector<16xi32>, vector<16xi32>], vector<16xf32>,
        %broadcast_in_dim3A_318 = arith.constant 24 : i32
        %broadcast_in_dim3A_319 = vector.broadcast %broadcast_in_dim3A_318 : i32 to vector<16xi32>
        %gather3A_320 = tpu.vector_load_idx %arg8[%rem3A_247, %broadcast_in_dim3A_319] : memref<50x32xf32, #tpu.memory_space<vmem>>[vector<16xi32>, vector<16xi32>], vector<16xf32>,
        tpu.vector_store_idx %arg12[%add3A_239, %broadcast_in_dim3A_319], %gather3A_320 : memref<512x32xf32, #tpu.memory_space<vmem>>[vector<16xi32>, vector<16xi32>], vector<16xf32>,
        %broadcast_in_dim3A_321 = arith.constant 25 : i32
        %broadcast_in_dim3A_322 = vector.broadcast %broadcast_in_dim3A_321 : i32 to vector<16xi32>
        %gather3A_323 = tpu.vector_load_idx %arg8[%rem3A_247, %broadcast_in_dim3A_322] : memref<50x32xf32, #tpu.memory_space<vmem>>[vector<16xi32>, vector<16xi32>], vector<16xf32>,
        tpu.vector_store_idx %arg12[%add3A_239, %broadcast_in_dim3A_322], %gather3A_323 : memref<512x32xf32, #tpu.memory_space<vmem>>[vector<16xi32>, vector<16xi32>], vector<16xf32>,
        %broadcast_in_dim3A_324 = arith.constant 26 : i32
        %broadcast_in_dim3A_325 = vector.broadcast %broadcast_in_dim3A_324 : i32 to vector<16xi32>
        %gather3A_326 = tpu.vector_load_idx %arg8[%rem3A_247, %broadcast_in_dim3A_325] : memref<50x32xf32, #tpu.memory_space<vmem>>[vector<16xi32>, vector<16xi32>], vector<16xf32>,
        tpu.vector_store_idx %arg12[%add3A_239, %broadcast_in_dim3A_325], %gather3A_326 : memref<512x32xf32, #tpu.memory_space<vmem>>[vector<16xi32>, vector<16xi32>], vector<16xf32>,
        %broadcast_in_dim3A_327 = arith.constant 27 : i32
        %broadcast_in_dim3A_328 = vector.broadcast %broadcast_in_dim3A_327 : i32 to vector<16xi32>
        %gather3A_329 = tpu.vector_load_idx %arg8[%rem3A_247, %broadcast_in_dim3A_328] : memref<50x32xf32, #tpu.memory_space<vmem>>[vector<16xi32>, vector<16xi32>], vector<16xf32>,
        tpu.vector_store_idx %arg12[%add3A_239, %broadcast_in_dim3A_328], %gather3A_329 : memref<512x32xf32, #tpu.memory_space<vmem>>[vector<16xi32>, vector<16xi32>], vector<16xf32>,
        %broadcast_in_dim3A_330 = arith.constant 28 : i32
        %broadcast_in_dim3A_331 = vector.broadcast %broadcast_in_dim3A_330 : i32 to vector<16xi32>
        %gather3A_332 = tpu.vector_load_idx %arg8[%rem3A_247, %broadcast_in_dim3A_331] : memref<50x32xf32, #tpu.memory_space<vmem>>[vector<16xi32>, vector<16xi32>], vector<16xf32>,
        tpu.vector_store_idx %arg12[%add3A_239, %broadcast_in_dim3A_331], %gather3A_332 : memref<512x32xf32, #tpu.memory_space<vmem>>[vector<16xi32>, vector<16xi32>], vector<16xf32>,
        %broadcast_in_dim3A_333 = arith.constant 29 : i32
        %broadcast_in_dim3A_334 = vector.broadcast %broadcast_in_dim3A_333 : i32 to vector<16xi32>
        %gather3A_335 = tpu.vector_load_idx %arg8[%rem3A_247, %broadcast_in_dim3A_334] : memref<50x32xf32, #tpu.memory_space<vmem>>[vector<16xi32>, vector<16xi32>], vector<16xf32>,
        tpu.vector_store_idx %arg12[%add3A_239, %broadcast_in_dim3A_334], %gather3A_335 : memref<512x32xf32, #tpu.memory_space<vmem>>[vector<16xi32>, vector<16xi32>], vector<16xf32>,
        %broadcast_in_dim3A_336 = arith.constant 30 : i32
        %broadcast_in_dim3A_337 = vector.broadcast %broadcast_in_dim3A_336 : i32 to vector<16xi32>
        %gather3A_338 = tpu.vector_load_idx %arg8[%rem3A_247, %broadcast_in_dim3A_337] : memref<50x32xf32, #tpu.memory_space<vmem>>[vector<16xi32>, vector<16xi32>], vector<16xf32>,
        tpu.vector_store_idx %arg12[%add3A_239, %broadcast_in_dim3A_337], %gather3A_338 : memref<512x32xf32, #tpu.memory_space<vmem>>[vector<16xi32>, vector<16xi32>], vector<16xf32>,
        %broadcast_in_dim3A_339 = arith.constant 31 : i32
        %broadcast_in_dim3A_340 = vector.broadcast %broadcast_in_dim3A_339 : i32 to vector<16xi32>
        %gather3A_341 = tpu.vector_load_idx %arg8[%rem3A_247, %broadcast_in_dim3A_340] : memref<50x32xf32, #tpu.memory_space<vmem>>[vector<16xi32>, vector<16xi32>], vector<16xf32>,
        tpu.vector_store_idx %arg12[%add3A_239, %broadcast_in_dim3A_340], %gather3A_341 : memref<512x32xf32, #tpu.memory_space<vmem>>[vector<16xi32>, vector<16xi32>], vector<16xf32>,
      }
      %scan3A_213 = arith.constant 32 : i32
      %dma_wait3A_214 = arith.constant 0 : i32
      %dma_wait3A_215 = arith.constant 0 : i32
      %dma_wait3A_216 = tpu.memref_slice %arg7[%dma_wait3A_214, %dma_wait3A_215] : memref<1x512xi32, #tpu.memory_space<vmem>> -> memref<1x512xi32, #tpu.memory_space<vmem>>
      %dma_wait3A_217 = tpu.memref_squeeze %dma_wait3A_216 : memref<1x512xi32, #tpu.memory_space<vmem>> -> memref<512xi32, #tpu.memory_space<vmem>>
      %dma_wait3A_218 = arith.constant 0 : i32
      %dma_wait3A_219 = arith.constant 0 : i32
      %dma_wait3A_220 = tpu.memref_slice %arg3[%dma_wait3A_218, %dma_wait3A_219] : memref<1000000x64xf32, #tpu.memory_space<hbm>> -> memref<1000000x64xf32, #tpu.memory_space<hbm>>
      tpu.wait_indirect_dma semaphore(%arg16 : memref<!tpu.dma_semaphore, #tpu.memory_space<semaphore_mem>>) src(%dma_wait3A_220 : memref<1000000x64xf32, #tpu.memory_space<hbm>>) dst(%arg10 : memref<512x64xf32, #tpu.memory_space<vmem>>)
      %mul3A_221 = arith.constant 512 : i32
      %mul3A_222 = arith.muli %add3A_160, %mul3A_221 : i32
      %add3A_223 = arith.addi %mul3A_2, %mul3A_222 : i32
      %dma_start3A_224 = arith.constant 0 : i32
      %dma_start3A_225 = tpu.memref_slice %arg5[%add3A_223, %dma_start3A_224] : memref<819200x96xf32, #tpu.memory_space<hbm>> -> memref<512x64xf32, #tpu.memory_space<hbm>>
      %dma_start3A_226 = arith.constant 0 : i32
      %dma_start3A_227 = tpu.memref_slice %arg5[%add3A_223, %dma_start3A_226] : memref<819200x96xf32, #tpu.memory_space<hbm>> -> memref<512x64xf32, #tpu.memory_space<hbm>>
      tpu.enqueue_dma source(%arg10 : memref<512x64xf32, #tpu.memory_space<vmem>>) target(%dma_start3A_227 : memref<512x64xf32, #tpu.memory_space<hbm>>) target_semaphore(%arg18 : memref<!tpu.dma_semaphore, #tpu.memory_space<semaphore_mem>>)
      %mul3A_228 = arith.constant 512 : i32
      %mul3A_229 = arith.muli %add3A_160, %mul3A_228 : i32
      %add3A_230 = arith.addi %mul3A_2, %mul3A_229 : i32
      %dma_start3A_231 = arith.constant 64 : i32
      %dma_start3A_232 = tpu.memref_slice %arg5[%add3A_230, %dma_start3A_231] : memref<819200x96xf32, #tpu.memory_space<hbm>> -> memref<512x32xf32, #tpu.memory_space<hbm>>
      %dma_start3A_233 = arith.constant 64 : i32
      %dma_start3A_234 = tpu.memref_slice %arg5[%add3A_230, %dma_start3A_233] : memref<819200x96xf32, #tpu.memory_space<hbm>> -> memref<512x32xf32, #tpu.memory_space<hbm>>
      tpu.enqueue_dma source(%arg12 : memref<512x32xf32, #tpu.memory_space<vmem>>) target(%dma_start3A_234 : memref<512x32xf32, #tpu.memory_space<hbm>>) target_semaphore(%arg18 : memref<!tpu.dma_semaphore, #tpu.memory_space<semaphore_mem>>)
    }
    %scan3A_28 = arith.constant 25 : i32
    %add3A_29 = arith.constant 24576 : i32
    %add3A_30 = arith.addi %mul3A_2, %add3A_29 : i32
    %dma_wait3A = arith.constant 0 : i32
    %dma_wait3A_31 = tpu.memref_slice %arg5[%add3A_30, %dma_wait3A] : memref<819200x96xf32, #tpu.memory_space<hbm>> -> memref<512x64xf32, #tpu.memory_space<hbm>>
    %dma_wait3A_32 = arith.constant 0 : i32
    %dma_wait3A_33 = tpu.memref_slice %arg5[%add3A_30, %dma_wait3A_32] : memref<819200x96xf32, #tpu.memory_space<hbm>> -> memref<512x64xf32, #tpu.memory_space<hbm>>
    tpu.wait_dma2 semaphore(%arg17 : memref<!tpu.dma_semaphore, #tpu.memory_space<semaphore_mem>>) src(%arg9 : memref<512x64xf32, #tpu.memory_space<vmem>>) dst(%dma_wait3A_33 : memref<512x64xf32, #tpu.memory_space<hbm>>)
    %add3A_34 = arith.constant 24576 : i32
    %add3A_35 = arith.addi %mul3A_2, %add3A_34 : i32
    %dma_wait3A_36 = arith.constant 64 : i32
    %dma_wait3A_37 = tpu.memref_slice %arg5[%add3A_35, %dma_wait3A_36] : memref<819200x96xf32, #tpu.memory_space<hbm>> -> memref<512x32xf32, #tpu.memory_space<hbm>>
    %dma_wait3A_38 = arith.constant 64 : i32
    %dma_wait3A_39 = tpu.memref_slice %arg5[%add3A_35, %dma_wait3A_38] : memref<819200x96xf32, #tpu.memory_space<hbm>> -> memref<512x32xf32, #tpu.memory_space<hbm>>
    tpu.wait_dma2 semaphore(%arg17 : memref<!tpu.dma_semaphore, #tpu.memory_space<semaphore_mem>>) src(%arg11 : memref<512x32xf32, #tpu.memory_space<vmem>>) dst(%dma_wait3A_39 : memref<512x32xf32, #tpu.memory_space<hbm>>)
    %add3A_40 = arith.constant 25088 : i32
    %add3A_41 = arith.addi %mul3A_2, %add3A_40 : i32
    %dma_wait3A_42 = arith.constant 0 : i32
    %dma_wait3A_43 = tpu.memref_slice %arg5[%add3A_41, %dma_wait3A_42] : memref<819200x96xf32, #tpu.memory_space<hbm>> -> memref<512x64xf32, #tpu.memory_space<hbm>>
    %dma_wait3A_44 = arith.constant 0 : i32
    %dma_wait3A_45 = tpu.memref_slice %arg5[%add3A_41, %dma_wait3A_44] : memref<819200x96xf32, #tpu.memory_space<hbm>> -> memref<512x64xf32, #tpu.memory_space<hbm>>
    tpu.wait_dma2 semaphore(%arg18 : memref<!tpu.dma_semaphore, #tpu.memory_space<semaphore_mem>>) src(%arg10 : memref<512x64xf32, #tpu.memory_space<vmem>>) dst(%dma_wait3A_45 : memref<512x64xf32, #tpu.memory_space<hbm>>)
    %add3A_46 = arith.constant 25088 : i32
    %add3A_47 = arith.addi %mul3A_2, %add3A_46 : i32
    %dma_wait3A_48 = arith.constant 64 : i32
    %dma_wait3A_49 = tpu.memref_slice %arg5[%add3A_47, %dma_wait3A_48] : memref<819200x96xf32, #tpu.memory_space<hbm>> -> memref<512x32xf32, #tpu.memory_space<hbm>>
    %dma_wait3A_50 = arith.constant 64 : i32
    %dma_wait3A_51 = tpu.memref_slice %arg5[%add3A_47, %dma_wait3A_50] : memref<819200x96xf32, #tpu.memory_space<hbm>> -> memref<512x32xf32, #tpu.memory_space<hbm>>
    tpu.wait_dma2 semaphore(%arg18 : memref<!tpu.dma_semaphore, #tpu.memory_space<semaphore_mem>>) src(%arg12 : memref<512x32xf32, #tpu.memory_space<vmem>>) dst(%dma_wait3A_51 : memref<512x32xf32, #tpu.memory_space<hbm>>)
    return
  }
}

</mosaic_0001>

<sc_bundles>
// kernel: kernel.3.cloned.1.call-start
scs
__scs_entry_jumppad:
0x0: {  	(pc) =	sbr.rel $0x88, $3  }
0x1: {  	(tag) =	ssettag $0x0;
	lr =	simm.s32 $0x1  }
0x2: {  	[smem:$0x3F9E] =	sst lr;
	_ =	strace $0xD0000000  }
0x3: {  	_ = 	snop  }
0x4: {  	_ = 	snop  }
0x5: {  	_ = 	snop  }
0x6: {  	_ = 	snop  }
0x7: {  	_ = 	snop  }
__scs_overlays_trampoline_lowered:
0x8: {  	[smem:$0x3FAD] =	sst s0  }
0x9: {  	[smem:$0x3FAE] =	sst s1  }
0xa: {  	[smem:$0x3FAF] =	sst s2  }
0xb: {  	[smem:$0x3FB0] =	sst s3  }
0xc: {  	[smem:$0x3FB1] =	sst s4  }
0xd: {  	[smem:$0x3FB2] =	sst s5  }
0xe: {  	[smem:$0x3FB3] =	sst s6  }
0xf: {  	[smem:$0x3FB4] =	sst s7  }
0x10: {  	[smem:$0x3FB5] =	sst s8  }
0x11: {  	[smem:$0x3FB6] =	sst s9;
	s0 =	simm.s32 @!p0 $0x0  }
0x12: {  	s1 =	sld [smem:$0x3F9C];
	s0 =	simm.s32 @p0 $0x1  }
0x13: {  	[smem:$0x3FB7] =	sst s0;
	s0 =	simm.s32 @!p1 $0x0  }
0x14: {  	s2 =	sld [smem:$0x3F9B];
	s0 =	simm.s32 @p1 $0x1  }
0x15: {  	[smem:$0x3FB8] =	sst s0;
	s0 =	simm.s32 @!p2 $0x0  }
0x16: {  	s3 =	sld [smem:$0x3FDB];
	s0 =	simm.s32 @p2 $0x1  }
0x17: {  	s4 =	simm.s32 $0x1BF5;
	[smem:$0x3FBA] =	sst s0  }
0x18: {  	s0 =	sld [smem:$0x3F9D];
	_ =	swait.ge [sflag:s4], $0x0  }
0x19: {  	s7 =	sld [smem:$0x3F9E]  }
0x1a: {  	s8 =	sadd.s32 $0xFFFFE003, lr  }
0x1b: {  	s9 =	sadd.s32 $0xFFFFFEF7, lr;
	s5 =	simm.s32 $0xFFFFFFFF;
	p2 =	slt.u32 s8, $0xFFFFF086  }
0x1c: {  	p1 =	slt.u32 s9, $0xF7A;
	s5 =	simm.s32 @!p2 $0x0  }
0x1d: {  	s5 =	simm.s32 @p1 $0x1;
	p0 =	seq.s32 s7, s2  }
0x1e: {  	s7 =	smul.u32 @!p0 $0xF7A, s2;
	p2 =	seq.s32 @!p0 s5, $0x0  }
0x1f: {  	s9 =	smul.u32 $0xF7A, s1;
	s8 =	simm.s32 @!p0 $0x1BF5;
	p2 =	por !p2, p0  }
0x20: {  	[sflag:s8] =	ssyncset.s32 @!p0 $0xFFFFF086;
	s6 =	sadd.s32 @!p0 s3, s7;
	s7 =	simm.s32 @!p0 $0x108  }
0x21: {  	s3 =	sadd.s32 s3, s9;
	s6 =	sadd.s32 @!p0 $0x88, s6;
	s7 =	simm.s32 @p2 $0x1082  }
0x22: {  	[simem:s7], [sflag:s8] =	dma.local @!p0 [hbm:s6], $0xF7A  }
0x23: {  	s9 =	sor.u32 $0xD0000000, s2;
	s6 =	simm.s32 $0x108;
	_ =	swait.ge @!p0 [sflag:s8], $0x0  }
0x24: {  	s3 =	sadd.s32 $0x88, s3;
	s6 =	simm.s32 @!p1 $0x1082;
	[sflag:s4] =	ssyncset.s32 $0xFFFFF086  }
0x25: {  	[simem:s6], [sflag:s4] =	dma.local [hbm:s3], $0xF7A  }
0x26: {  	[smem:$0x3F9E] =	sst s1;
	(tag) =	ssettag s2;
	_ =	strace s9  }
0x27: {  	s1 =	sld [smem:$0x3FAE]  }
0x28: {  	s2 =	sld [smem:$0x3FAF]  }
0x29: {  	s4 =	sld [smem:$0x3FB1]  }
0x2a: {  	p0 =	seq.s32 s5, $0x0;
	s5 =	sld [smem:$0x3FB2]  }
0x2b: {  	s6 =	sld [smem:$0x3FB3]  }
0x2c: {  	s7 =	sld [smem:$0x3FB4]  }
0x2d: {  	s3 =	simm.s32 $0x108;
	s8 =	sld [smem:$0x3FB5]  }
0x2e: {  	s3 =	simm.s32 @!p0 $0x1082;
	s9 =	sld [smem:$0x3FB6]  }
0x2f: {  	lr =	sadd.s32 s0, s3;
	s0 =	sld [smem:$0x3FAD]  }
0x30: {  	s3 =	sld [smem:$0x3FB0]  }
0x31: {  	[smem:$0x3FB9] =	sst s10  }
0x32: {  	s10 =	sld [smem:$0x3FB7];
	_ =	sdelay $0x3  }
0x33: {  	p0 =	seq.s32 s10, $0x1;
	s10 =	sld [smem:$0x3FB9];
	_ =	sdelay $0x3  }
0x34: {  	[smem:$0x3FB9] =	sst s10  }
0x35: {  	s10 =	sld [smem:$0x3FB8];
	_ =	sdelay $0x3  }
0x36: {  	p1 =	seq.s32 s10, $0x1;
	s10 =	sld [smem:$0x3FB9];
	_ =	sdelay $0x3  }
0x37: {  	[smem:$0x3FB9] =	sst s10  }
0x38: {  	s10 =	sld [smem:$0x3FBA]  }
0x39: {  	_ = 	snop;
	(pc) =	sbr.ind lr, $3  }
0x3a: {  	_ = 	snop  }
0x3b: {  	_ = 	snop  }
0x3c: {  	p2 =	seq.s32 s10, $0x1;
	s10 =	sld [smem:$0x3FB9]  }
0x3d: {  	_ =	shalt  }
0x3e: {  	_ =	shalt  }
0x3f: {  	_ =	shalt  }
0x40: {  	_ =	shalt  }
0x41: {  	_ =	shalt  }
0x42: {  	_ =	shalt  }
0x43: {  	_ =	shalt  }
0x44: {  	_ =	shalt  }
0x45: {  	_ =	shalt  }
0x46: {  	_ =	shalt  }
0x47: {  	_ =	shalt  }
0x48: {  	_ =	shalt  }
0x49: {  	_ =	shalt  }
0x4a: {  	_ =	shalt  }
0x4b: {  	_ =	shalt  }
0x4c: {  	_ =	shalt  }
0x4d: {  	_ =	shalt  }
0x4e: {  	_ =	shalt  }
0x4f: {  	_ =	shalt  }
0x50: {  	_ =	shalt  }
0x51: {  	_ =	shalt  }
0x52: {  	_ =	shalt  }
0x53: {  	_ =	shalt  }
0x54: {  	_ =	shalt  }
0x55: {  	_ =	shalt  }
0x56: {  	_ =	shalt  }
0x57: {  	_ =	shalt  }
0x58: {  	_ =	shalt  }
0x59: {  	_ =	shalt  }
0x5a: {  	_ =	shalt  }
0x5b: {  	_ =	shalt  }
0x5c: {  	_ =	shalt  }
0x5d: {  	_ =	shalt  }
0x5e: {  	_ =	shalt  }
0x5f: {  	_ =	shalt  }
0x60: {  	_ =	shalt  }
0x61: {  	_ =	shalt  }
0x62: {  	_ =	shalt  }
0x63: {  	_ =	shalt  }
0x64: {  	_ =	shalt  }
0x65: {  	_ =	shalt  }
0x66: {  	_ =	shalt  }
0x67: {  	_ =	shalt  }
0x68: {  	_ =	shalt  }
0x69: {  	_ =	shalt  }
0x6a: {  	_ =	shalt  }
0x6b: {  	_ =	shalt  }
0x6c: {  	_ =	shalt  }
0x6d: {  	_ =	shalt  }
0x6e: {  	_ =	shalt  }
0x6f: {  	_ =	shalt  }
0x70: {  	_ =	shalt  }
0x71: {  	_ =	shalt  }
0x72: {  	_ =	shalt  }
0x73: {  	_ =	shalt  }
0x74: {  	_ =	shalt  }
0x75: {  	_ =	shalt  }
0x76: {  	_ =	shalt  }
0x77: {  	_ =	shalt  }
0x78: {  	_ =	shalt  }
0x79: {  	_ =	shalt  }
0x7a: {  	_ =	shalt  }
0x7b: {  	_ =	shalt  }
0x7c: {  	_ =	shalt  }
0x7d: {  	_ =	shalt  }
0x7e: {  	_ =	shalt  }
0x7f: {  	_ =	shalt  }
0x80: {  	_ =	shalt  }
0x81: {  	_ =	shalt  }
0x82: {  	_ =	shalt  }
0x83: {  	_ =	shalt  }
0x84: {  	_ =	shalt  }
0x85: {  	_ =	shalt  }
0x86: {  	_ =	shalt  }
0x87: {  	_ =	shalt  }
.Lfunc_end0:
.L_simem_size_0:
called_computation.1_lowered:
.L_overlay_start_0:
0x88: {  	s2 =	sld [smem:$0x3FD9]  }
0x89: {  	s3 =	sld [smem:$0x3FFE];
	_ =	sdelay $0x1  }
0x8a: {  	s1 =	srdreg.scid  }
0x8b: {  	s0 =	sand.u32 $0x1, s1  }
0x8c: {  	s17 =	sshll.u32 s0, $0xA;
	s2 =	sadd.s32 s3, s2  }
0x8d: {  	s2 =	sadd.s32 s2, s17  }
0x8e: {  	[smem:$0x3FC5] =	sst s2  }
0x8f: {  	_ = 	snop  }
0x90: {  	s2 =	sld [smem:$0x3FD0];
	(tm) =	ssettm $0x1  }
0x91: {  	s18 =	sld [smem:$0x3FFB];
	_ =	sdelay $0x3  }
0x92: {  	_ =	strace s18  }
0x93: {  	s3 =	sld [smem:$0x3FFC];
	_ =	sdelay $0x3  }
0x94: {  	_ =	strace s3  }
0x95: {  	s3 =	sld [smem:$0x3FFD];
	_ =	sdelay $0x3  }
0x96: {  	_ =	strace s3  }
0x97: {  	_ =	strace $0x8FFFFFFF  }
0x98: {  	s19 =	sld [smem:$0x3FDB];
	_ =	sdelay $0x1  }
0x99: {  	s4 =	simm.s32 $_scs_section_size  }
0x9a: {  	s5 =	simm.s32 $_size__tile_overlayer_lowered;
	s6 =	simm.s32 $_tile_overlayer_lowered  }
0x9b: {  	s22 =	simm.s32 $0x1BFF;
	s21 =	sshll.u32 s6, $0x1;
	s3 =	sadd.s32 s4, s19  }
0x9c: {  	s7 =	simm.s32 $0x0;
	s20 =	sshll.u32 s5, $0x1;
	s5 =	sadd.s32 s21, s3  }
0x9d: {  	[timem:s7], [sflag:s22] =	dma.local [hbm:s5], s20  }
0x9e: {  	_ =	swait.ge [sflag:s22], s20  }
0x9f: {  	s4 =	ssub.s32 $0x0, s20;
	[sflag:s22] =	ssyncset.done $0x0  }
0xa0: {  	[sflag:s22] =	ssyncadd.s32 s4;
	_ =	sdelay $0x1  }
0xa1: {  	s23 =	simm.s32 $0x1B8B  }
0xa2: {  	_ =	swait.ge [sflag:s23], $0x1  }
0xa3: {  	[sflag:s23] =	ssyncset.done $0x0  }
0xa4: {  	s25 =	simm.s32 $0x1B8E;
	s24 =	sld [smem:$0x3FFE];
	[sflag:s23] =	ssyncadd.s32 $0xFFFFFFFF  }
0xa5: {  	s26 =	simm.s32 $execute0_lowered;
	[smem:$0x3FD2] =	sst s25  }
0xa6: {  	s5 =	sshll.u32 s26, $0x1;
	_ =	strace $0x80000046;
	[dreg:$0x1] =	wrdreg $0xFFFFFFFF  }
0xa7: {  	s28 =	simm.s32 $_size_execute0_lowered;
	s3 =	sadd.s32 s3, s5;
	[dreg:$0x0] =	wrdreg $0x0  }
0xa8: {  	s5 =	sshll.u32 s28, $0x1;
	[dreg:$0x2] =	wrdreg s3  }
0xa9: {  	[dreg:$0x3] =	wrdreg s5  }
0xaa: {  	[dreg:$0x4] =	wrdreg $0xC0  }
0xab: {  	_ =	task [dreg:s7], $0x5FFFF  }
0xac: {  	[dreg:$0x1] =	wrdreg $0xFFFFFFFF  }
0xad: {  	[dreg:$0x0] =	wrdreg $0x60  }
0xae: {  	[dreg:$0x2] =	wrdreg s24  }
0xaf: {  	[dreg:$0x3] =	wrdreg s2  }
0xb0: {  	[dreg:$0x4] =	wrdreg $0x9  }
0xb1: {  	_ =	task.clear_ibuf [dreg:s7], $0x5FFFF;
	_ =	strace $0x90000046  }
0xb2: {  	s29 =	simm.s32 $0x9;
	_ =	strace $0x80000048  }
0xb3: {  	_ =	swait.ge [sflag:s29], $0x1  }
0xb4: {  	[sflag:s29] =	ssyncadd.s32 $0xFFFFFFFF  }
0xb5: {  	_ =	strace $0x90000048  }
0xb6: {  	_ =	sfence  }
0xb7: {  	s30 =	sld [smem:$0x0];
	_ =	sdelay $0x2  }
0xb8: {  	s31 =	sshll.u32 s1, $0xD;
	s1 =	sshrl.u32 s1, $0x2  }
0xb9: {  	s3 =	sand.u32 $0x4000, s31;
	s1 =	sadd.s32 s1, s30  }
0xba: {  	s0 =	sor.u32 s3, s0;
	s1 =	sshll.u32 s1, $0x11  }
0xbb: {  	s0 =	sor.u32 s1, s0  }
0xbc: {  	s0 =	sadd.s32 $0x8F2B, s0  }
0xbd: {  	[sflag:s0] =	ssyncadd.remote.s32 $0x1  }
0xbe: {  	_ =	sfence.sel $0xFFFF  }
0xbf: {  	[dreg:$0x0] =	wrdreg $0xFFFFFFFF;
	(pc) =	sbr.abs _section_cstart, $3  }
0xc0: {  	[dreg:$0x1] =	wrdreg $0xFFFFFFFF  }
0xc1: {  	_ =	task.clear_ibuf [dreg:s7], $0x2FFFF;
	_ =	strace $0x9FFFFFFF  }
0xc2: {  	(tm) =	ssettm $0x7FFFFFFF  }
0xc3: {  	_ =	shalt  }
tec
execute0_lowered:
.L_overlay_start_1:
0x0: {  	(tag) =	ssettag $0x1  }
0x1: {  	s0 =	rddreg [dreg:$0x0]  }
0x2: {  	s3 =	rddreg [dreg:$0x1]  }
0x3: {  	s1 =	srdreg.scid;
	s2 =	stileid.u32  }
0x4: {  	s4 =	simm.s32 $0x0;
	s1 =	sand.u32 $0x1, s1;
	s2 =	sshll.u32 s2, $0x1  }
0x5: {  	[smem:$0x7FF] =	sst s4;
	s5 =	sadd.s32 $0xC00, s0;
	s25 =	sadd.s32 $0xF43000, s0  }
0x6: {  	v0 =	vimm.s32 $0xECA86420;
	s0 =	sadd.s32 $0x19C00, s0;
	_ =	strace $0x80000047;
	[dreg:$0x5] =	wrdreg s25  }
0x7: {  	vm0 =	vcmask $0xB08;
	vm1 =	vcmask $0x1310;
	vm2 =	vcmask $0x1B18;
	s30 =	sadd.s32 $0x8, s3;
	s2 =	sor.u32 s1, s2;
	[dreg:$0x6] =	wrdreg s0  }
0x8: {  	vm3 =	vcmask $0x300;
	vm4 =	vcmask $0x2320;
	vm5 =	vcmask $0x2B28;
	s1 =	ssub.s32 $0x2, s1;
	[dreg:$0x4] =	wrdreg s5;
	s24 =	smul.u32 $0x6400, s2  }
0x9: {  	v2 =	vlaneseq.u32;
	vm6 =	vcmask $0x3330;
	vm7 =	vcmask $0x3B38;
	[dreg:$0x8] =	wrdreg s30;
	s26 =	sshrl.u32 s1, $0x1  }
0xa: {  	vm8 =	vmmov $0xff;
	vm9 =	vcmask $0x704;
	vm10 =	vcmask $0xF0C;
	s28 =	ssub.s32 s1, s26;
	[dreg:$0x3] =	wrdreg s24;
	s31 =	sadd.s32 $0x400, s24  }
0xb: {  	vm11 =	vcmask $0x1714;
	vm12 =	vcmask $0x1F1C;
	v0 =	vunpack.c.l.s4.s8 v0;
	s29 =	sshrl.u32 s24, $0x3;
	s0 =	smax.u32 s28, $0x1;
	[dreg:$0x9] =	wrdreg s31  }
0xc: {  	s12 =	simm.s32 $0x400;
	vm13 =	vcmask $0x2724;
	vm14 =	vcmask $0x2F2C;
	vm15 =	vcmask $0x3734;
	s1 =	sadd.s32 s5, s29;
	[dreg:$0xa] =	wrdreg s0  }
0xd: {  	v1 =	vmul.u32 $0x2, v2;
	v2 =	vmul.u32 $0x20, v2;
	v0 =	vunpack.c.0.s8.s32 v0;
	s2 =	simm.s32 $0x0;
	s24 =	simm.s32 $0x14A40;
	[dreg:$0x7] =	wrdreg s1  }
.LBB2_1:
0xe: {  	[dreg:$0xb] =	wrdreg s2  }
0xf: {  	s0 =	simm.s32 $0x0;
	s1 =	rddreg [dreg:$0x6];
	s30 =	simm.s32 $0x7  }
0x10: {  	[tilespmem:s12], [sflag:$0x7] =	stream.linear.gather [hbm4b:s1+s0], $0x640, $0x38;
	[tilespmem:$0x18A40] =	vst v63  }
0x11: {  	_ =	swait.ge [sflag:s30], $0x640  }
0x12: {  	[sflag:s30] =	ssyncset.done $0x0  }
0x13: {  	s2 =	simm.s32 $0x0;
	s31 =	rddreg [dreg:$0x7];
	[sflag:s30] =	ssyncadd.s32 $0xFFFFF9C0  }
0x14: {  	[tilespmem:s0], [sflag:$0x1] =	stream.linear.gather [hbm4b:s31+s0], $0x200, $0x38;
	[tilespmem:$0x18A40] =	vst v63  }
.LBB2_2:
0x15: {  	s0 =	simm.s32 $0x1  }
0x16: {  	_ =	swait.ge [sflag:s0], $0x200  }
0x17: {  	p0 =	seq.s32 s2, $0x0;
	[sflag:s0] =	ssyncset.done $0x0  }
0x18: {  	s1 =	simm.s32 @!p0 $0x5;
	[sflag:s0] =	ssyncadd.s32 $0xFFFFFE00  }
0x19: {  	_ =	swait.ge @!p0 [sflag:s1], $0x8000  }
0x1a: {  	[sflag:s1] =	ssyncset.done @!p0 $0x0  }
0x1b: {  	[sflag:s1] =	ssyncadd.s32 @!p0 $0xFFFF8000  }
0x1c: {  	s4 =	sshll.u32 s2, $0xA;
	_ =	swait.ge @!p0 [sflag:s1], $0x4000;
	[dreg:$0xc] =	wrdreg s2  }
0x1d: {  	s5 =	simm.s32 $0x0;
	s3 =	simm.s32 $0x200;
	[dreg:$0xe] =	wrdreg s4  }
0x1e: {  	s28 =	simm.s32 $0xA40;
	[sflag:s1] =	ssyncset.done @!p0 $0x0;
	s29 =	rddreg [dreg:$0x3]  }
0x1f: {  	s26 =	rddreg [dreg:$0x5];
	[sflag:s1] =	ssyncadd.s32 @!p0 $0xFFFFC000;
	s2 =	sadd.s32 s4, s29  }
0x20: {  	[tilespmem:s28], [sflag:$0x3] =	stream.indirect.gather [hbm4b:s26+s3], $0x40, s5, s3, $0xb8;
	[tilespmem:$0x18A40] =	vst v63  }
0x21: {  	s31 =	rddreg [dreg:$0x4];
	s0 =	sadd.s32 s29, s4;
	s30 =	sadd.s32 $0x200, s2  }
0x22: {  	[dreg:$0x10] =	wrdreg s0;
	s2 =	sshrl.u32 s30, $0x3  }
0x23: {  	s8 =	simm.s32 $0x0;
	[dreg:$0xd] =	wrdreg s30;
	s2 =	sadd.s32 s31, s2  }
0x24: {  	[tilespmem:s3], [sflag:$0x2] =	stream.linear.gather [hbm4b:s2+s5], $0x200, $0x38;
	[tilespmem:$0x18A40] =	vst v63  }
.LBB2_3:
0x25: {  	v3 =	vld [tilespmem:s5+$0x0];
	_ =	sdelay $0x4  }
0x26: {  	(v2sf) =	vpush v3, $0xD;
	_ =	sdelay $0x1  }
0x27: {  	(v2sf) =	vpush v3, $0xC;
	_ =	sdelay $0x1  }
0x28: {  	(v2sf) =	vpush v3, $0xE;
	_ =	sdelay $0x1  }
0x29: {  	(v2sf) =	vpush v3, $0xF;
	_ =	sdelay $0x1  }
0x2a: {  	(v2sf) =	vpush v3, $0x9;
	_ =	sdelay $0x1  }
0x2b: {  	(v2sf) =	vpush v3, $0x8;
	_ =	sdelay $0x1  }
0x2c: {  	(v2sf) =	vpush v3, $0xA;
	_ =	sdelay $0x1  }
0x2d: {  	(v2sf) =	vpush v3, $0xB  }
0x2e: {  	s2 =	spop (v2sf)  }
0x2f: {  	(v2sf) =	vpush v3, $0x0;
	s3 =	smulhi.u32 $0x51EB851F, s2;
	s2 =	sshra.s32 s2, $0x1F  }
0x30: {  	s10 =	spop (v2sf);
	s2 =	smul.u32 $0x51EB851F, s2  }
0x31: {  	(v2sf) =	vpush v3, $0x1;
	s11 =	smulhi.u32 $0x51EB851F, s10;
	s10 =	sshra.s32 s10, $0x1F  }
0x32: {  	s13 =	spop (v2sf);
	s10 =	smul.u32 $0x51EB851F, s10  }
0x33: {  	(v2sf) =	vpush v3, $0x2;
	s19 =	smulhi.u32 $0x51EB851F, s13;
	s13 =	sshra.s32 s13, $0x1F  }
0x34: {  	(v2sf) =	vpush v3, $0x3;
	s16 =	spop (v2sf);
	s26 =	smul.u32 $0x51EB851F, s13  }
0x35: {  	(v2sf) =	vpush v3, $0x4;
	s23 =	smulhi.u32 $0x51EB851F, s16;
	s16 =	sshra.s32 s16, $0x1F  }
0x36: {  	(v2sf) =	vpush v3, $0x5;
	s21 =	spop (v2sf);
	s16 =	smul.u32 $0x51EB851F, s16  }
0x37: {  	(v2sf) =	vpush v3, $0x6;
	s14 =	smulhi.u32 $0x51EB851F, s21;
	s21 =	sshra.s32 s21, $0x1F  }
0x38: {  	(v2sf) =	vpush v3, $0x7;
	s6 =	spop (v2sf);
	s22 =	smul.u32 $0x51EB851F, s21  }
0x39: {  	[dreg:$0xf] =	wrdreg s5;
	s5 =	smulhi.u32 $0x51EB851F, s6;
	s13 =	sshra.s32 s6, $0x1F  }
0x3a: {  	s29 =	spop (v2sf);
	s6 =	smul.u32 $0x51EB851F, s13  }
0x3b: {  	s20 =	smulhi.u32 $0x51EB851F, s29;
	s7 =	sshra.s32 s29, $0x1F  }
0x3c: {  	s26 =	sadd.s32 s26, s19;
	s15 =	spop (v2sf);
	s31 =	smul.u32 $0x51EB851F, s7  }
0x3d: {  	s13 =	sadd.s32 s2, s3;
	s0 =	smulhi.u32 $0x51EB851F, s15;
	s15 =	sshra.s32 s15, $0x1F  }
0x3e: {  	s29 =	sadd.s32 s10, s11;
	s18 =	spop (v2sf);
	s2 =	smul.u32 $0x51EB851F, s15  }
0x3f: {  	s11 =	sadd.s32 s16, s23;
	s15 =	smulhi.u32 $0x51EB851F, s18;
	s17 =	sshra.s32 s18, $0x1F  }
0x40: {  	s30 =	sshrl.u32 s29, $0x1F;
	s25 =	spop (v2sf);
	s1 =	smul.u32 $0x51EB851F, s17  }
0x41: {  	s16 =	sadd.s32 s22, s14;
	s17 =	smulhi.u32 $0x51EB851F, s25;
	s19 =	sshra.s32 s25, $0x1F  }
0x42: {  	s18 =	sshrl.u32 s13, $0x1F;
	s4 =	spop (v2sf);
	s23 =	smul.u32 $0x51EB851F, s19  }
0x43: {  	s25 =	sshrl.u32 s26, $0x1F;
	s9 =	spop (v2sf);
	s14 =	smulhi.u32 $0x51EB851F, s4  }
0x44: {  	s10 =	sshra.s32 s4, $0x1F;
	s4 =	sshrl.u32 s11, $0x1F;
	s28 =	spop (v2sf)  }
0x45: {  	s19 =	sadd.s32 s6, s5;
	s5 =	smul.u32 $0x51EB851F, s10;
	s7 =	spop (v2sf)  }
0x46: {  	s6 =	smulhi.u32 $0x51EB851F, s9;
	s9 =	sshra.s32 s9, $0x1F;
	s21 =	spop (v2sf)  }
0x47: {  	s3 =	sadd.s32 s2, s0;
	s0 =	smul.u32 $0x51EB851F, s9;
	s22 =	spop (v2sf)  }
0x48: {  	s10 =	sadd.s32 s31, s20;
	s9 =	smulhi.u32 $0x51EB851F, s22;
	s2 =	sshra.s32 s22, $0x1F  }
0x49: {  	s1 =	sadd.s32 s1, s15;
	s15 =	sshrl.u32 s16, $0x1F;
	s2 =	smul.u32 $0x51EB851F, s2  }
0x4a: {  	v5 =	vmov s30;
	s17 =	sadd.s32 s23, s17;
	s31 =	sshra.s32 s28, $0x1F;
	s30 =	sshrl.u32 s1, $0x1F  }
0x4b: {  	s5 =	sadd.s32 s5, s14;
	s14 =	smulhi.u32 $0x51EB851F, s28;
	s2 =	sadd.s32 s2, s9  }
0x4c: {  	s20 =	smul.u32 $0x51EB851F, s31;
	s28 =	sshra.s32 s1, $0x4;
	s23 =	sshra.s32 s2, $0x1F  }
0x4d: {  	s31 =	sshrl.u32 s17, $0x1F;
	s1 =	sshra.s32 s1, $0x1F;
	s0 =	sadd.s32 s0, s6;
	v4 =	vmov s23  }
0x4e: {  	v5 =	vsel vm0, s18, v5;
	v6 =	vmov s30;
	s30 =	sshrl.u32 s5, $0x1F;
	s14 =	sadd.s32 s20, s14;
	s20 =	sshrl.u32 s3, $0x1F;
	v4 =	vsel vm3, s28, v4  }
0x4f: {  	v5 =	vsel vm1, s25, v5;
	s18 =	smulhi.u32 $0x51EB851F, s7;
	s7 =	sshra.s32 s7, $0x1F;
	s28 =	sshra.s32 s17, $0x4;
	v4 =	vsel vm9, s1, v4  }
0x50: {  	v5 =	vsel vm2, s4, v5;
	v6 =	vnsel vm3, $0x0, v6;
	s3 =	sshra.s32 s3, $0x4;
	s22 =	sshrl.u32 s19, $0x1F;
	s17 =	sshra.s32 s17, $0x1F;
	v4 =	vsel vm0, s28, v4  }
0x51: {  	v6 =	vsel vm0, s31, v6;
	s4 =	smulhi.u32 $0x51EB851F, s21;
	s31 =	sshra.s32 s21, $0x1F;
	s21 =	sshra.s32 s5, $0x4;
	v7 =	vmov s22;
	v4 =	vsel vm10, s17, v4  }
0x52: {  	s7 =	smul.u32 $0x51EB851F, s7;
	s5 =	sshra.s32 s5, $0x1F;
	v7 =	vsel vm0, s15, v7;
	s15 =	sshra.s32 s19, $0x4;
	v4 =	vsel vm1, s21, v4  }
0x53: {  	v6 =	vsel vm1, s30, v6;
	s30 =	sshra.s32 s0, $0x4;
	s19 =	sshra.s32 s16, $0x4;
	s9 =	sshrl.u32 s10, $0x1F;
	v8 =	vmov s15;
	v4 =	vsel vm11, s5, v4  }
0x54: {  	v7 =	vsel vm1, s9, v7;
	s9 =	sshra.s32 s29, $0x4;
	v8 =	vsel vm0, s19, v8;
	s23 =	sshrl.u32 s0, $0x1F;
	s0 =	sshra.s32 s0, $0x1F;
	v4 =	vsel vm2, s30, v4  }
0x55: {  	s25 =	sadd.s32 s7, s18;
	s7 =	sshra.s32 s14, $0x4;
	s22 =	sshra.s32 s10, $0x4;
	v7 =	vsel vm2, s20, v7;
	v56 =	vmov s9;
	v4 =	vsel vm12, s0, v4  }
0x56: {  	s6 =	smul.u32 $0x51EB851F, s31;
	s18 =	sshra.s32 s13, $0x4;
	v8 =	vsel vm1, s22, v8;
	v6 =	vsel vm2, s23, v6;
	s17 =	sshra.s32 s14, $0x1F;
	v4 =	vsel vm4, s7, v4  }
0x57: {  	s31 =	sshrl.u32 s25, $0x1F;
	s20 =	sshra.s32 s25, $0x4;
	v5 =	vcombine.low v7, v5;
	v7 =	vsel vm0, s18, v56;
	s28 =	sshrl.u32 s14, $0x1F;
	v4 =	vsel vm13, s17, v4  }
0x58: {  	s4 =	sadd.s32 s6, s4;
	s23 =	sshra.s32 s25, $0x1F;
	v8 =	vsel vm2, s3, v8;
	v6 =	vsel vm4, s28, v6;
	s21 =	sshra.s32 s26, $0x4;
	v4 =	vsel vm5, s20, v4  }
0x59: {  	s6 =	sshrl.u32 s4, $0x1F;
	s25 =	sshra.s32 s11, $0x4;
	v6 =	vsel vm5, s31, v6;
	s26 =	sshra.s32 s4, $0x4;
	v7 =	vsel vm1, s21, v7;
	v4 =	vsel vm14, s23, v4  }
0x5a: {  	s29 =	sshra.s32 s4, $0x1F;
	s28 =	sshrl.u32 s2, $0x1F;
	v6 =	vsel vm6, s6, v6;
	v7 =	vsel vm2, s25, v7;
	v4 =	vsel vm6, s26, v4  }
0x5b: {  	s31 =	sshra.s32 s2, $0x4;
	v6 =	vsel vm7, s28, v6;
	v7 =	vcombine.low v8, v7;
	v4 =	vsel vm15, s29, v4  }
0x5c: {  	v5 =	vperm.xlane v5, v0;
	v6 =	vperm.xlane v6, v1;
	v4 =	vsel vm7, s31, v4  }
0x5d: {  	v7 =	vperm.xlane v7, v0;
	v4 =	vperm.xlane v4, v1;
	_ =	sdelay $0x1  }
0x5e: {  	v5 =	vsel vm8, v6, v5;
	v4 =	vsel vm8, v4, v7  }
0x5f: {  	v4 =	vadd.s32 v5, v4  }
0x60: {  	v4 =	vmul.u32 $0x32, v4;
	_ =	sdelay $0x1  }
0x61: {  	v3 =	vsub.s32 v3, v4  }
0x62: {  	v3 =	vshll.u32 v3, $0x5;
	_ =	sdelay $0x2  }
0x63: {  	v57 =	vmov s8  }
0x64: {  	v4 =	vshll.u32 v57, $0x5  }
0x65: {  	v4 =	vor.u32 v2, v4;
	v58 =	vld.idx.msk [tilespmem:v3+s12+$0x0], $0xffff  }
0x66: {  	v59 =	vor.u32 $0x1, v3;
	_ =	sdelay $0x2  }
0x67: {  	s3 =	simm.s32 $0x10A40  }
0x68: {  	[tilespmem:v4+s3+$0x0] =	vst.idx.msk $0xffff, v58  }
0x69: {  	v60 =	vor.u32 $0x1, v4;
	v5 =	vld.idx.msk [tilespmem:v59+s12+$0x0], $0xffff  }
0x6a: {  	v61 =	vor.u32 $0x2, v3;
	_ =	sdelay $0x3  }
0x6b: {  	[tilespmem:v60+s3+$0x0] =	vst.idx.msk $0xffff, v5  }
0x6c: {  	v62 =	vor.u32 $0x2, v4;
	v5 =	vld.idx.msk [tilespmem:v61+s12+$0x0], $0xffff  }
0x6d: {  	v63 =	vor.u32 $0x3, v3;
	_ =	sdelay $0x3  }
0x6e: {  	[tilespmem:v62+s3+$0x0] =	vst.idx.msk $0xffff, v5  }
0x6f: {  	v9 =	vor.u32 $0x3, v4;
	v5 =	vld.idx.msk [tilespmem:v63+s12+$0x0], $0xffff  }
0x70: {  	v10 =	vor.u32 $0x4, v3;
	_ =	sdelay $0x3  }
0x71: {  	[tilespmem:v9+s3+$0x0] =	vst.idx.msk $0xffff, v5  }
0x72: {  	v11 =	vor.u32 $0x4, v4;
	v5 =	vld.idx.msk [tilespmem:v10+s12+$0x0], $0xffff  }
0x73: {  	v12 =	vor.u32 $0x5, v3;
	_ =	sdelay $0x3  }
0x74: {  	[tilespmem:v11+s3+$0x0] =	vst.idx.msk $0xffff, v5  }
0x75: {  	v13 =	vor.u32 $0x5, v4;
	v5 =	vld.idx.msk [tilespmem:v12+s12+$0x0], $0xffff  }
0x76: {  	v14 =	vor.u32 $0x6, v3;
	_ =	sdelay $0x3  }
0x77: {  	[tilespmem:v13+s3+$0x0] =	vst.idx.msk $0xffff, v5  }
0x78: {  	v15 =	vor.u32 $0x6, v4;
	v5 =	vld.idx.msk [tilespmem:v14+s12+$0x0], $0xffff  }
0x79: {  	v16 =	vor.u32 $0x7, v3;
	_ =	sdelay $0x3  }
0x7a: {  	[tilespmem:v15+s3+$0x0] =	vst.idx.msk $0xffff, v5  }
0x7b: {  	v17 =	vor.u32 $0x7, v4;
	v5 =	vld.idx.msk [tilespmem:v16+s12+$0x0], $0xffff  }
0x7c: {  	v18 =	vor.u32 $0x8, v3;
	_ =	sdelay $0x3  }
0x7d: {  	[tilespmem:v17+s3+$0x0] =	vst.idx.msk $0xffff, v5  }
0x7e: {  	v19 =	vor.u32 $0x8, v4;
	v5 =	vld.idx.msk [tilespmem:v18+s12+$0x0], $0xffff  }
0x7f: {  	v20 =	vor.u32 $0x9, v3;
	_ =	sdelay $0x3  }
0x80: {  	[tilespmem:v19+s3+$0x0] =	vst.idx.msk $0xffff, v5  }
0x81: {  	v21 =	vor.u32 $0x9, v4;
	v5 =	vld.idx.msk [tilespmem:v20+s12+$0x0], $0xffff  }
0x82: {  	v22 =	vor.u32 $0xA, v3;
	_ =	sdelay $0x3  }
0x83: {  	[tilespmem:v21+s3+$0x0] =	vst.idx.msk $0xffff, v5  }
0x84: {  	v23 =	vor.u32 $0xA, v4;
	v5 =	vld.idx.msk [tilespmem:v22+s12+$0x0], $0xffff  }
0x85: {  	v24 =	vor.u32 $0xB, v3;
	_ =	sdelay $0x3  }
0x86: {  	[tilespmem:v23+s3+$0x0] =	vst.idx.msk $0xffff, v5  }
0x87: {  	v25 =	vor.u32 $0xB, v4;
	v5 =	vld.idx.msk [tilespmem:v24+s12+$0x0], $0xffff  }
0x88: {  	v26 =	vor.u32 $0xC, v3;
	_ =	sdelay $0x3  }
0x89: {  	[tilespmem:v25+s3+$0x0] =	vst.idx.msk $0xffff, v5  }
0x8a: {  	v27 =	vor.u32 $0xC, v4;
	v5 =	vld.idx.msk [tilespmem:v26+s12+$0x0], $0xffff  }
0x8b: {  	v28 =	vor.u32 $0xD, v3;
	_ =	sdelay $0x3  }
0x8c: {  	[tilespmem:v27+s3+$0x0] =	vst.idx.msk $0xffff, v5  }
0x8d: {  	v29 =	vor.u32 $0xD, v4;
	v5 =	vld.idx.msk [tilespmem:v28+s12+$0x0], $0xffff  }
0x8e: {  	v30 =	vor.u32 $0xE, v3;
	_ =	sdelay $0x3  }
0x8f: {  	[tilespmem:v29+s3+$0x0] =	vst.idx.msk $0xffff, v5  }
0x90: {  	v31 =	vor.u32 $0xE, v4;
	v5 =	vld.idx.msk [tilespmem:v30+s12+$0x0], $0xffff  }
0x91: {  	v32 =	vor.u32 $0xF, v3;
	_ =	sdelay $0x3  }
0x92: {  	[tilespmem:v31+s3+$0x0] =	vst.idx.msk $0xffff, v5  }
0x93: {  	v33 =	vor.u32 $0xF, v4;
	v5 =	vld.idx.msk [tilespmem:v32+s12+$0x0], $0xffff  }
0x94: {  	v34 =	vor.u32 $0x10, v3;
	_ =	sdelay $0x3  }
0x95: {  	[tilespmem:v33+s3+$0x0] =	vst.idx.msk $0xffff, v5  }
0x96: {  	v35 =	vor.u32 $0x10, v4;
	v5 =	vld.idx.msk [tilespmem:v34+s12+$0x0], $0xffff  }
0x97: {  	v36 =	vor.u32 $0x11, v3;
	_ =	sdelay $0x3  }
0x98: {  	[tilespmem:v35+s3+$0x0] =	vst.idx.msk $0xffff, v5  }
0x99: {  	v37 =	vor.u32 $0x11, v4;
	v5 =	vld.idx.msk [tilespmem:v36+s12+$0x0], $0xffff  }
0x9a: {  	v38 =	vor.u32 $0x12, v3;
	_ =	sdelay $0x3  }
0x9b: {  	[tilespmem:v37+s3+$0x0] =	vst.idx.msk $0xffff, v5  }
0x9c: {  	v39 =	vor.u32 $0x12, v4;
	v5 =	vld.idx.msk [tilespmem:v38+s12+$0x0], $0xffff  }
0x9d: {  	v40 =	vor.u32 $0x13, v3;
	_ =	sdelay $0x3  }
0x9e: {  	[tilespmem:v39+s3+$0x0] =	vst.idx.msk $0xffff, v5  }
0x9f: {  	v41 =	vor.u32 $0x13, v4;
	v5 =	vld.idx.msk [tilespmem:v40+s12+$0x0], $0xffff  }
0xa0: {  	v42 =	vor.u32 $0x14, v3;
	_ =	sdelay $0x3  }
0xa1: {  	[tilespmem:v41+s3+$0x0] =	vst.idx.msk $0xffff, v5  }
0xa2: {  	v43 =	vor.u32 $0x14, v4;
	v5 =	vld.idx.msk [tilespmem:v42+s12+$0x0], $0xffff  }
0xa3: {  	v44 =	vor.u32 $0x15, v3;
	_ =	sdelay $0x3  }
0xa4: {  	[tilespmem:v43+s3+$0x0] =	vst.idx.msk $0xffff, v5  }
0xa5: {  	v45 =	vor.u32 $0x15, v4;
	v5 =	vld.idx.msk [tilespmem:v44+s12+$0x0], $0xffff  }
0xa6: {  	v46 =	vor.u32 $0x16, v3;
	_ =	sdelay $0x3  }
0xa7: {  	[tilespmem:v45+s3+$0x0] =	vst.idx.msk $0xffff, v5  }
0xa8: {  	v47 =	vor.u32 $0x16, v4;
	v5 =	vld.idx.msk [tilespmem:v46+s12+$0x0], $0xffff  }
0xa9: {  	v48 =	vor.u32 $0x17, v3;
	_ =	sdelay $0x3  }
0xaa: {  	[tilespmem:v47+s3+$0x0] =	vst.idx.msk $0xffff, v5  }
0xab: {  	v49 =	vor.u32 $0x17, v4;
	v5 =	vld.idx.msk [tilespmem:v48+s12+$0x0], $0xffff  }
0xac: {  	v50 =	vor.u32 $0x18, v3;
	_ =	sdelay $0x3  }
0xad: {  	[tilespmem:v49+s3+$0x0] =	vst.idx.msk $0xffff, v5  }
0xae: {  	v51 =	vor.u32 $0x18, v4;
	v5 =	vld.idx.msk [tilespmem:v50+s12+$0x0], $0xffff  }
0xaf: {  	v52 =	vor.u32 $0x19, v3;
	_ =	sdelay $0x3  }
0xb0: {  	[tilespmem:v51+s3+$0x0] =	vst.idx.msk $0xffff, v5  }
0xb1: {  	v53 =	vor.u32 $0x19, v4;
	v5 =	vld.idx.msk [tilespmem:v52+s12+$0x0], $0xffff  }
0xb2: {  	v54 =	vor.u32 $0x1A, v3;
	_ =	sdelay $0x3  }
0xb3: {  	[tilespmem:v53+s3+$0x0] =	vst.idx.msk $0xffff, v5  }
0xb4: {  	v55 =	vor.u32 $0x1A, v4;
	v5 =	vld.idx.msk [tilespmem:v54+s12+$0x0], $0xffff  }
0xb5: {  	v56 =	vor.u32 $0x1B, v3;
	_ =	sdelay $0x3  }
0xb6: {  	[tilespmem:v55+s3+$0x0] =	vst.idx.msk $0xffff, v5  }
0xb7: {  	v57 =	vor.u32 $0x1B, v4;
	v5 =	vld.idx.msk [tilespmem:v56+s12+$0x0], $0xffff  }
0xb8: {  	v58 =	vor.u32 $0x1C, v3;
	_ =	sdelay $0x3  }
0xb9: {  	[tilespmem:v57+s3+$0x0] =	vst.idx.msk $0xffff, v5  }
0xba: {  	v59 =	vor.u32 $0x1C, v4;
	v5 =	vld.idx.msk [tilespmem:v58+s12+$0x0], $0xffff  }
0xbb: {  	v60 =	vor.u32 $0x1D, v3;
	_ =	sdelay $0x3  }
0xbc: {  	[tilespmem:v59+s3+$0x0] =	vst.idx.msk $0xffff, v5  }
0xbd: {  	v61 =	vor.u32 $0x1D, v4;
	v5 =	vld.idx.msk [tilespmem:v60+s12+$0x0], $0xffff  }
0xbe: {  	v62 =	vor.u32 $0x1E, v3;
	_ =	sdelay $0x3  }
0xbf: {  	[tilespmem:v61+s3+$0x0] =	vst.idx.msk $0xffff, v5  }
0xc0: {  	v63 =	vor.u32 $0x1E, v4;
	v5 =	vld.idx.msk [tilespmem:v62+s12+$0x0], $0xffff  }
0xc1: {  	v3 =	vor.u32 $0x1F, v3;
	_ =	sdelay $0x3  }
0xc2: {  	[tilespmem:v63+s3+$0x0] =	vst.idx.msk $0xffff, v5  }
0xc3: {  	p0 =	sne.s32 s8, $0x1F0;
	v4 =	vor.u32 $0x1F, v4;
	v3 =	vld.idx.msk [tilespmem:v3+s12+$0x0], $0xffff  }
.Ltmp0:
0xc4: {  	_ = 	snop;
	(pc) =	sbr.rel @p0 .LBB2_3-.Ltmp0, $3  }
0xc5: {  	_ =	sdelay $0x1  }
0xc6: {  	s30 =	rddreg [dreg:$0xf]  }
0xc7: {  	s8 =	sadd.s32 $0x10, s8;
	s5 =	sadd.s32 $0x10, s30;
	[tilespmem:v4+s3+$0x0] =	vst.idx.msk $0xffff, v3  }
0xc8: {  	s1 =	simm.s32 $0x3  }
0xc9: {  	_ =	swait.ge [sflag:s1], $0x8000  }
0xca: {  	s0 =	rddreg [dreg:$0x10];
	[sflag:s1] =	ssyncset.done $0x0  }
0xcb: {  	s0 =	smul.u32 $0xC, s0;
	[sflag:s1] =	ssyncadd.s32 $0xFFFF8000  }
0xcc: {  	s2 =	simm.s32 $0xA40;
	s4 =	simm.s32 $0x40;
	s1 =	rddreg [dreg:$0x1]  }
0xcd: {  	s5 =	simm.s32 $0x60;
	s29 =	rddreg [dreg:$0x8];
	s1 =	sadd.s32 s1, s0  }
0xce: {  	[hbm4b:s1+s4] =	stream.strided.scatter [tilespmem:s2], [sflag:$0x5], $0x8000, s5, s4, $0x38;
	[tilespmem:$0x18A40] =	vst v63  }
0xcf: {  	s30 =	simm.s32 $0x20;
	s31 =	simm.s32 $0x2;
	s0 =	sadd.s32 s0, s29  }
0xd0: {  	[hbm4b:s0+s30] =	stream.strided.scatter [tilespmem:s3], [sflag:$0x5], $0x4000, s5, s30, $0x38;
	[tilespmem:$0x18A40] =	vst v63  }
0xd1: {  	_ =	swait.ge [sflag:s31], $0x200  }
0xd2: {  	s3 =	rddreg [dreg:$0xc]  }
0xd3: {  	p0 =	sne.s32 s3, $0x0  }
.Ltmp1:
0xd4: {  	_ = 	snop;
	(pc) =	sbr.rel @!p0 .LBB2_5-.Ltmp1, $3  }
0xd5: {  	_ =	sdelay $0x1  }
0xd6: {  	[sflag:s31] =	ssyncset.done $0x0  }
0xd7: {  	[sflag:s31] =	ssyncadd.s32 $0xFFFFFE00  }
0xd8: {  	s0 =	simm.s32 $0x6  }
0xd9: {  	_ =	swait.ge [sflag:s0], $0x8000  }
0xda: {  	p0 =	seq.s32 s3, $0x18;
	[sflag:s0] =	ssyncset.done $0x0  }
.Ltmp2:
0xdb: {  	[sflag:s0] =	ssyncadd.s32 $0xFFFF8000;
	(pc) =	sbr.rel @p0 .LBB2_8-.Ltmp2, $4  }
.Ltmp3:
0xdc: {  	_ =	swait.ge [sflag:s0], $0x4000;
	(pc) =	sbr.rel @!p0 .LBB2_7-.Ltmp3, $4  }
0xdd: {  	s1 =	simm.s32 $0x200;
	[sflag:s0] =	ssyncset.done $0x0  }
0xde: {  	s2 =	simm.s32 $0x8A40;
	s31 =	rddreg [dreg:$0x5];
	[sflag:s0] =	ssyncadd.s32 $0xFFFFC000  }
0xdf: {  	[tilespmem:s2], [sflag:$0x4] =	stream.indirect.gather [hbm4b:s31+s1], $0x40, s1, s1, $0xb8;
	[tilespmem:$0x18A40] =	vst v63  }
0xe0: {  	_ = 	snop  }
.LBB2_5:
0xe1: {  	s0 =	rddreg [dreg:$0x5];
	s1 =	simm.s32 $0x200;
	s2 =	simm.s32 $0x8A40  }
0xe2: {  	[tilespmem:s2], [sflag:$0x4] =	stream.indirect.gather [hbm4b:s0+s1], $0x40, s1, s1, $0xb8;
	[tilespmem:$0x18A40] =	vst v63  }
.LBB2_7:
0xe3: {  	s0 =	rddreg [dreg:$0x9]  }
0xe4: {  	s1 =	rddreg [dreg:$0xe]  }
0xe5: {  	s0 =	sadd.s32 s1, s0  }
0xe6: {  	s30 =	rddreg [dreg:$0x4];
	s0 =	sshrl.u32 s0, $0x3  }
0xe7: {  	s31 =	simm.s32 $0x0;
	s0 =	sadd.s32 s30, s0  }
0xe8: {  	[tilespmem:s31], [sflag:$0x1] =	stream.linear.gather [hbm4b:s0+s31], $0x200, $0x38;
	[tilespmem:$0x18A40] =	vst v63  }
.LBB2_8:
0xe9: {  	s0 =	simm.s32 $0x0;
	s1 =	simm.s32 $0x200  }
.LBB2_9:
0xea: {  	v3 =	vld [tilespmem:s1+$0x0];
	_ =	sdelay $0x4  }
0xeb: {  	(v2sf) =	vpush v3, $0xD;
	_ =	sdelay $0x1  }
0xec: {  	(v2sf) =	vpush v3, $0xC;
	_ =	sdelay $0x1  }
0xed: {  	(v2sf) =	vpush v3, $0xE;
	_ =	sdelay $0x1  }
0xee: {  	(v2sf) =	vpush v3, $0xF;
	_ =	sdelay $0x1  }
0xef: {  	(v2sf) =	vpush v3, $0x9;
	_ =	sdelay $0x1  }
0xf0: {  	(v2sf) =	vpush v3, $0x8;
	_ =	sdelay $0x1  }
0xf1: {  	(v2sf) =	vpush v3, $0xA;
	_ =	sdelay $0x1  }
0xf2: {  	(v2sf) =	vpush v3, $0xB  }
0xf3: {  	s2 =	spop (v2sf)  }
0xf4: {  	(v2sf) =	vpush v3, $0x0;
	s3 =	smulhi.u32 $0x51EB851F, s2;
	s2 =	sshra.s32 s2, $0x1F  }
0xf5: {  	(v2sf) =	vpush v3, $0x1;
	s4 =	spop (v2sf);
	s2 =	smul.u32 $0x51EB851F, s2  }
0xf6: {  	s5 =	smulhi.u32 $0x51EB851F, s4;
	s4 =	sshra.s32 s4, $0x1F  }
0xf7: {  	(v2sf) =	vpush v3, $0x2;
	s6 =	spop (v2sf);
	s4 =	smul.u32 $0x51EB851F, s4  }
0xf8: {  	s9 =	smulhi.u32 $0x51EB851F, s6;
	s6 =	sshra.s32 s6, $0x1F  }
0xf9: {  	(v2sf) =	vpush v3, $0x3;
	s7 =	spop (v2sf);
	s6 =	smul.u32 $0x51EB851F, s6  }
0xfa: {  	(v2sf) =	vpush v3, $0x4;
	s14 =	smulhi.u32 $0x51EB851F, s7;
	s7 =	sshra.s32 s7, $0x1F  }
0xfb: {  	(v2sf) =	vpush v3, $0x5;
	s8 =	spop (v2sf);
	s7 =	smul.u32 $0x51EB851F, s7  }
0xfc: {  	(v2sf) =	vpush v3, $0x6;
	s15 =	smulhi.u32 $0x51EB851F, s8;
	s8 =	sshra.s32 s8, $0x1F  }
0xfd: {  	(v2sf) =	vpush v3, $0x7;
	s10 =	spop (v2sf);
	s17 =	smul.u32 $0x51EB851F, s8  }
0xfe: {  	s19 =	smulhi.u32 $0x51EB851F, s10;
	s29 =	sshra.s32 s10, $0x1F  }
0xff: {  	s11 =	spop (v2sf);
	s20 =	smul.u32 $0x51EB851F, s29  }
0x100: {  	s23 =	smulhi.u32 $0x51EB851F, s11;
	s30 =	sshra.s32 s11, $0x1F  }
0x101: {  	s8 =	sadd.s32 s2, s3;
	s13 =	spop (v2sf);
	s26 =	smul.u32 $0x51EB851F, s30  }
0x102: {  	s7 =	sadd.s32 s7, s14;
	s29 =	smulhi.u32 $0x51EB851F, s13;
	s31 =	sshra.s32 s13, $0x1F  }
0x103: {  	s16 =	spop (v2sf);
	s13 =	sadd.s32 s4, s5;
	s3 =	smul.u32 $0x51EB851F, s31  }
0x104: {  	s5 =	sshrl.u32 s8, $0x1F;
	s18 =	spop (v2sf);
	s4 =	smulhi.u32 $0x51EB851F, s16  }
0x105: {  	s11 =	sshra.s32 s16, $0x1F;
	s30 =	sshrl.u32 s13, $0x1F;
	s19 =	sadd.s32 s20, s19  }
0x106: {  	s10 =	spop (v2sf);
	s31 =	smul.u32 $0x51EB851F, s11;
	s11 =	sadd.s32 s6, s9  }
0x107: {  	s6 =	smulhi.u32 $0x51EB851F, s18;
	s16 =	sshra.s32 s18, $0x1F;
	s2 =	sadd.s32 s26, s23  }
0x108: {  	s22 =	spop (v2sf);
	s14 =	smul.u32 $0x51EB851F, s16;
	s16 =	sadd.s32 s17, s15  }
0x109: {  	s15 =	smulhi.u32 $0x51EB851F, s10;
	s18 =	sshra.s32 s10, $0x1F;
	s25 =	spop (v2sf)  }
0x10a: {  	s9 =	sshrl.u32 s11, $0x1F;
	s10 =	smul.u32 $0x51EB851F, s18;
	s28 =	spop (v2sf)  }
0x10b: {  	s18 =	smulhi.u32 $0x51EB851F, s22;
	s26 =	sshra.s32 s22, $0x1F;
	s21 =	spop (v2sf)  }
0x10c: {  	s3 =	sadd.s32 s3, s29;
	s20 =	smul.u32 $0x51EB851F, s26;
	s29 =	spop (v2sf)  }
0x10d: {  	s17 =	sshrl.u32 s7, $0x1F;
	s23 =	smulhi.u32 $0x51EB851F, s29;
	s22 =	sshra.s32 s29, $0x1F  }
0x10e: {  	s4 =	sadd.s32 s31, s4;
	s26 =	sshrl.u32 s16, $0x1F;
	s31 =	smul.u32 $0x51EB851F, s22  }
0x10f: {  	v5 =	vmov s30;
	s6 =	sadd.s32 s14, s6;
	s14 =	sshrl.u32 s2, $0x1F;
	s15 =	sadd.s32 s10, s15  }
0x110: {  	v5 =	vsel vm0, s5, v5;
	s30 =	sshrl.u32 s6, $0x1F;
	s18 =	sadd.s32 s20, s18;
	s10 =	sadd.s32 s31, s23  }
0x111: {  	v5 =	vsel vm1, s9, v5;
	s20 =	sshra.s32 s4, $0x4;
	s5 =	smulhi.u32 $0x51EB851F, s28;
	s31 =	sshra.s32 s10, $0x1F  }
0x112: {  	v5 =	vsel vm2, s17, v5;
	s9 =	sshrl.u32 s15, $0x1F;
	s17 =	smulhi.u32 $0x51EB851F, s21;
	s29 =	sshra.s32 s25, $0x1F;
	v4 =	vmov s31  }
0x113: {  	s22 =	smulhi.u32 $0x51EB851F, s25;
	s31 =	sshrl.u32 s4, $0x1F;
	s4 =	sshra.s32 s4, $0x1F;
	v4 =	vsel vm3, s20, v4  }
0x114: {  	s28 =	sshra.s32 s28, $0x1F;
	s29 =	smul.u32 $0x51EB851F, s29;
	v6 =	vmov s31;
	s31 =	sshra.s32 s6, $0x4;
	v4 =	vsel vm9, s4, v4  }
0x115: {  	s25 =	sshrl.u32 s19, $0x1F;
	s19 =	sshra.s32 s19, $0x4;
	s6 =	sshra.s32 s6, $0x1F;
	v4 =	vsel vm0, s31, v4  }
0x116: {  	v7 =	vmov s25;
	s22 =	sadd.s32 s29, s22;
	s23 =	sshrl.u32 s3, $0x1F;
	v6 =	vnsel vm3, $0x0, v6;
	s31 =	sshra.s32 s15, $0x4;
	v4 =	vsel vm10, s6, v4  }
0x117: {  	s29 =	smul.u32 $0x51EB851F, s28;
	v7 =	vsel vm0, s26, v7;
	v6 =	vsel vm0, s30, v6;
	s30 =	sshra.s32 s21, $0x1F;
	s15 =	sshra.s32 s15, $0x1F;
	v4 =	vsel vm1, s31, v4  }
0x118: {  	v8 =	vmov s19;
	v7 =	vsel vm1, s14, v7;
	s14 =	sshra.s32 s18, $0x1F;
	s25 =	smul.u32 $0x51EB851F, s30;
	s30 =	sshra.s32 s18, $0x4;
	v4 =	vsel vm11, s15, v4  }
0x119: {  	s28 =	sadd.s32 s29, s5;
	s29 =	sshrl.u32 s22, $0x1F;
	v7 =	vsel vm2, s23, v7;
	s21 =	sshrl.u32 s18, $0x1F;
	v6 =	vsel vm1, s9, v6;
	v4 =	vsel vm2, s30, v4  }
0x11a: {  	v5 =	vcombine.low v7, v5;
	s18 =	sshra.s32 s13, $0x4;
	v6 =	vsel vm2, s21, v6;
	s6 =	sadd.s32 s25, s17;
	s17 =	sshra.s32 s22, $0x4;
	v4 =	vsel vm12, s14, v4  }
0x11b: {  	s8 =	sshra.s32 s8, $0x4;
	s20 =	sshra.s32 s22, $0x1F;
	v56 =	vmov s18;
	s21 =	sshra.s32 s16, $0x4;
	v6 =	vsel vm4, s29, v6;
	v4 =	vsel vm4, s17, v4  }
0x11c: {  	s23 =	sshra.s32 s11, $0x4;
	s31 =	sshrl.u32 s28, $0x1F;
	s22 =	sshra.s32 s28, $0x4;
	v7 =	vsel vm0, s8, v56;
	v8 =	vsel vm0, s21, v8;
	v4 =	vsel vm13, s20, v4  }
0x11d: {  	s2 =	sshra.s32 s2, $0x4;
	s4 =	sshra.s32 s28, $0x1F;
	v6 =	vsel vm5, s31, v6;
	s15 =	sshrl.u32 s6, $0x1F;
	v7 =	vsel vm1, s23, v7;
	v4 =	vsel vm5, s22, v4  }
0x11e: {  	s26 =	sshra.s32 s3, $0x4;
	s25 =	sshra.s32 s7, $0x4;
	v8 =	vsel vm1, s2, v8;
	s28 =	sshra.s32 s6, $0x4;
	v6 =	vsel vm6, s15, v6;
	v4 =	vsel vm14, s4, v4  }
0x11f: {  	s29 =	sshrl.u32 s10, $0x1F;
	s30 =	sshra.s32 s6, $0x1F;
	v7 =	vsel vm2, s25, v7;
	v8 =	vsel vm2, s26, v8;
	v4 =	vsel vm6, s28, v4  }
0x120: {  	s31 =	sshra.s32 s10, $0x4;
	v7 =	vcombine.low v8, v7;
	v6 =	vsel vm7, s29, v6;
	v4 =	vsel vm15, s30, v4  }
0x121: {  	v5 =	vperm.xlane v5, v0;
	v6 =	vperm.xlane v6, v1;
	v4 =	vsel vm7, s31, v4  }
0x122: {  	v7 =	vperm.xlane v7, v0;
	v4 =	vperm.xlane v4, v1;
	_ =	sdelay $0x1  }
0x123: {  	v5 =	vsel vm8, v6, v5;
	v4 =	vsel vm8, v4, v7  }
0x124: {  	v4 =	vadd.s32 v5, v4  }
0x125: {  	v4 =	vmul.u32 $0x32, v4;
	_ =	sdelay $0x1  }
0x126: {  	v3 =	vsub.s32 v3, v4  }
0x127: {  	v3 =	vshll.u32 v3, $0x5;
	_ =	sdelay $0x2  }
0x128: {  	v57 =	vmov s0  }
0x129: {  	v4 =	vshll.u32 v57, $0x5  }
0x12a: {  	v4 =	vor.u32 v2, v4;
	v58 =	vld.idx.msk [tilespmem:v3+s12+$0x0], $0xffff  }
0x12b: {  	v59 =	vor.u32 $0x1, v3;
	_ =	sdelay $0x3  }
0x12c: {  	[tilespmem:v4+s24+$0x0] =	vst.idx.msk $0xffff, v58  }
0x12d: {  	v60 =	vor.u32 $0x1, v4;
	v5 =	vld.idx.msk [tilespmem:v59+s12+$0x0], $0xffff  }
0x12e: {  	v61 =	vor.u32 $0x2, v3;
	_ =	sdelay $0x3  }
0x12f: {  	[tilespmem:v60+s24+$0x0] =	vst.idx.msk $0xffff, v5  }
0x130: {  	v62 =	vor.u32 $0x2, v4;
	v5 =	vld.idx.msk [tilespmem:v61+s12+$0x0], $0xffff  }
0x131: {  	v63 =	vor.u32 $0x3, v3;
	_ =	sdelay $0x3  }
0x132: {  	[tilespmem:v62+s24+$0x0] =	vst.idx.msk $0xffff, v5  }
0x133: {  	v9 =	vor.u32 $0x3, v4;
	v5 =	vld.idx.msk [tilespmem:v63+s12+$0x0], $0xffff  }
0x134: {  	v10 =	vor.u32 $0x4, v3;
	_ =	sdelay $0x3  }
0x135: {  	[tilespmem:v9+s24+$0x0] =	vst.idx.msk $0xffff, v5  }
0x136: {  	v11 =	vor.u32 $0x4, v4;
	v5 =	vld.idx.msk [tilespmem:v10+s12+$0x0], $0xffff  }
0x137: {  	v12 =	vor.u32 $0x5, v3;
	_ =	sdelay $0x3  }
0x138: {  	[tilespmem:v11+s24+$0x0] =	vst.idx.msk $0xffff, v5  }
0x139: {  	v13 =	vor.u32 $0x5, v4;
	v5 =	vld.idx.msk [tilespmem:v12+s12+$0x0], $0xffff  }
0x13a: {  	v14 =	vor.u32 $0x6, v3;
	_ =	sdelay $0x3  }
0x13b: {  	[tilespmem:v13+s24+$0x0] =	vst.idx.msk $0xffff, v5  }
0x13c: {  	v15 =	vor.u32 $0x6, v4;
	v5 =	vld.idx.msk [tilespmem:v14+s12+$0x0], $0xffff  }
0x13d: {  	v16 =	vor.u32 $0x7, v3;
	_ =	sdelay $0x3  }
0x13e: {  	[tilespmem:v15+s24+$0x0] =	vst.idx.msk $0xffff, v5  }
0x13f: {  	v17 =	vor.u32 $0x7, v4;
	v5 =	vld.idx.msk [tilespmem:v16+s12+$0x0], $0xffff  }
0x140: {  	v18 =	vor.u32 $0x8, v3;
	_ =	sdelay $0x3  }
0x141: {  	[tilespmem:v17+s24+$0x0] =	vst.idx.msk $0xffff, v5  }
0x142: {  	v19 =	vor.u32 $0x8, v4;
	v5 =	vld.idx.msk [tilespmem:v18+s12+$0x0], $0xffff  }
0x143: {  	v20 =	vor.u32 $0x9, v3;
	_ =	sdelay $0x3  }
0x144: {  	[tilespmem:v19+s24+$0x0] =	vst.idx.msk $0xffff, v5  }
0x145: {  	v21 =	vor.u32 $0x9, v4;
	v5 =	vld.idx.msk [tilespmem:v20+s12+$0x0], $0xffff  }
0x146: {  	v22 =	vor.u32 $0xA, v3;
	_ =	sdelay $0x3  }
0x147: {  	[tilespmem:v21+s24+$0x0] =	vst.idx.msk $0xffff, v5  }
0x148: {  	v23 =	vor.u32 $0xA, v4;
	v5 =	vld.idx.msk [tilespmem:v22+s12+$0x0], $0xffff  }
0x149: {  	v24 =	vor.u32 $0xB, v3;
	_ =	sdelay $0x3  }
0x14a: {  	[tilespmem:v23+s24+$0x0] =	vst.idx.msk $0xffff, v5  }
0x14b: {  	v25 =	vor.u32 $0xB, v4;
	v5 =	vld.idx.msk [tilespmem:v24+s12+$0x0], $0xffff  }
0x14c: {  	v26 =	vor.u32 $0xC, v3;
	_ =	sdelay $0x3  }
0x14d: {  	[tilespmem:v25+s24+$0x0] =	vst.idx.msk $0xffff, v5  }
0x14e: {  	v27 =	vor.u32 $0xC, v4;
	v5 =	vld.idx.msk [tilespmem:v26+s12+$0x0], $0xffff  }
0x14f: {  	v28 =	vor.u32 $0xD, v3;
	_ =	sdelay $0x3  }
0x150: {  	[tilespmem:v27+s24+$0x0] =	vst.idx.msk $0xffff, v5  }
0x151: {  	v29 =	vor.u32 $0xD, v4;
	v5 =	vld.idx.msk [tilespmem:v28+s12+$0x0], $0xffff  }
0x152: {  	v30 =	vor.u32 $0xE, v3;
	_ =	sdelay $0x3  }
0x153: {  	[tilespmem:v29+s24+$0x0] =	vst.idx.msk $0xffff, v5  }
0x154: {  	v31 =	vor.u32 $0xE, v4;
	v5 =	vld.idx.msk [tilespmem:v30+s12+$0x0], $0xffff  }
0x155: {  	v32 =	vor.u32 $0xF, v3;
	_ =	sdelay $0x3  }
0x156: {  	[tilespmem:v31+s24+$0x0] =	vst.idx.msk $0xffff, v5  }
0x157: {  	v33 =	vor.u32 $0xF, v4;
	v5 =	vld.idx.msk [tilespmem:v32+s12+$0x0], $0xffff  }
0x158: {  	v34 =	vor.u32 $0x10, v3;
	_ =	sdelay $0x3  }
0x159: {  	[tilespmem:v33+s24+$0x0] =	vst.idx.msk $0xffff, v5  }
0x15a: {  	v35 =	vor.u32 $0x10, v4;
	v5 =	vld.idx.msk [tilespmem:v34+s12+$0x0], $0xffff  }
0x15b: {  	v36 =	vor.u32 $0x11, v3;
	_ =	sdelay $0x3  }
0x15c: {  	[tilespmem:v35+s24+$0x0] =	vst.idx.msk $0xffff, v5  }
0x15d: {  	v37 =	vor.u32 $0x11, v4;
	v5 =	vld.idx.msk [tilespmem:v36+s12+$0x0], $0xffff  }
0x15e: {  	v38 =	vor.u32 $0x12, v3;
	_ =	sdelay $0x3  }
0x15f: {  	[tilespmem:v37+s24+$0x0] =	vst.idx.msk $0xffff, v5  }
0x160: {  	v39 =	vor.u32 $0x12, v4;
	v5 =	vld.idx.msk [tilespmem:v38+s12+$0x0], $0xffff  }
0x161: {  	v40 =	vor.u32 $0x13, v3;
	_ =	sdelay $0x3  }
0x162: {  	[tilespmem:v39+s24+$0x0] =	vst.idx.msk $0xffff, v5  }
0x163: {  	v41 =	vor.u32 $0x13, v4;
	v5 =	vld.idx.msk [tilespmem:v40+s12+$0x0], $0xffff  }
0x164: {  	v42 =	vor.u32 $0x14, v3;
	_ =	sdelay $0x3  }
0x165: {  	[tilespmem:v41+s24+$0x0] =	vst.idx.msk $0xffff, v5  }
0x166: {  	v43 =	vor.u32 $0x14, v4;
	v5 =	vld.idx.msk [tilespmem:v42+s12+$0x0], $0xffff  }
0x167: {  	v44 =	vor.u32 $0x15, v3;
	_ =	sdelay $0x3  }
0x168: {  	[tilespmem:v43+s24+$0x0] =	vst.idx.msk $0xffff, v5  }
0x169: {  	v45 =	vor.u32 $0x15, v4;
	v5 =	vld.idx.msk [tilespmem:v44+s12+$0x0], $0xffff  }
0x16a: {  	v46 =	vor.u32 $0x16, v3;
	_ =	sdelay $0x3  }
0x16b: {  	[tilespmem:v45+s24+$0x0] =	vst.idx.msk $0xffff, v5  }
0x16c: {  	v47 =	vor.u32 $0x16, v4;
	v5 =	vld.idx.msk [tilespmem:v46+s12+$0x0], $0xffff  }
0x16d: {  	v48 =	vor.u32 $0x17, v3;
	_ =	sdelay $0x3  }
0x16e: {  	[tilespmem:v47+s24+$0x0] =	vst.idx.msk $0xffff, v5  }
0x16f: {  	v49 =	vor.u32 $0x17, v4;
	v5 =	vld.idx.msk [tilespmem:v48+s12+$0x0], $0xffff  }
0x170: {  	v50 =	vor.u32 $0x18, v3;
	_ =	sdelay $0x3  }
0x171: {  	[tilespmem:v49+s24+$0x0] =	vst.idx.msk $0xffff, v5  }
0x172: {  	v51 =	vor.u32 $0x18, v4;
	v5 =	vld.idx.msk [tilespmem:v50+s12+$0x0], $0xffff  }
0x173: {  	v52 =	vor.u32 $0x19, v3;
	_ =	sdelay $0x3  }
0x174: {  	[tilespmem:v51+s24+$0x0] =	vst.idx.msk $0xffff, v5  }
0x175: {  	v53 =	vor.u32 $0x19, v4;
	v5 =	vld.idx.msk [tilespmem:v52+s12+$0x0], $0xffff  }
0x176: {  	v54 =	vor.u32 $0x1A, v3;
	_ =	sdelay $0x3  }
0x177: {  	[tilespmem:v53+s24+$0x0] =	vst.idx.msk $0xffff, v5  }
0x178: {  	v55 =	vor.u32 $0x1A, v4;
	v5 =	vld.idx.msk [tilespmem:v54+s12+$0x0], $0xffff  }
0x179: {  	v56 =	vor.u32 $0x1B, v3;
	_ =	sdelay $0x3  }
0x17a: {  	[tilespmem:v55+s24+$0x0] =	vst.idx.msk $0xffff, v5  }
0x17b: {  	v57 =	vor.u32 $0x1B, v4;
	v5 =	vld.idx.msk [tilespmem:v56+s12+$0x0], $0xffff  }
0x17c: {  	v58 =	vor.u32 $0x1C, v3;
	_ =	sdelay $0x3  }
0x17d: {  	[tilespmem:v57+s24+$0x0] =	vst.idx.msk $0xffff, v5  }
0x17e: {  	v59 =	vor.u32 $0x1C, v4;
	v5 =	vld.idx.msk [tilespmem:v58+s12+$0x0], $0xffff  }
0x17f: {  	v60 =	vor.u32 $0x1D, v3;
	_ =	sdelay $0x3  }
0x180: {  	[tilespmem:v59+s24+$0x0] =	vst.idx.msk $0xffff, v5  }
0x181: {  	v61 =	vor.u32 $0x1D, v4;
	v5 =	vld.idx.msk [tilespmem:v60+s12+$0x0], $0xffff  }
0x182: {  	v62 =	vor.u32 $0x1E, v3;
	_ =	sdelay $0x3  }
0x183: {  	[tilespmem:v61+s24+$0x0] =	vst.idx.msk $0xffff, v5  }
0x184: {  	v63 =	vor.u32 $0x1E, v4;
	v5 =	vld.idx.msk [tilespmem:v62+s12+$0x0], $0xffff  }
0x185: {  	v3 =	vor.u32 $0x1F, v3;
	_ =	sdelay $0x3  }
0x186: {  	[tilespmem:v63+s24+$0x0] =	vst.idx.msk $0xffff, v5  }
0x187: {  	p0 =	sne.s32 s0, $0x1F0;
	v4 =	vor.u32 $0x1F, v4;
	v3 =	vld.idx.msk [tilespmem:v3+s12+$0x0], $0xffff  }
.Ltmp4:
0x188: {  	_ = 	snop;
	(pc) =	sbr.rel @p0 .LBB2_9-.Ltmp4, $2  }
0x189: {  	_ =	sdelay $0x2  }
0x18a: {  	s1 =	sadd.s32 $0x10, s1;
	s0 =	sadd.s32 $0x10, s0;
	[tilespmem:v4+s24+$0x0] =	vst.idx.msk $0xffff, v3  }
0x18b: {  	s1 =	simm.s32 $0x4  }
0x18c: {  	_ =	swait.ge [sflag:s1], $0x8000  }
0x18d: {  	s0 =	rddreg [dreg:$0xd];
	[sflag:s1] =	ssyncset.done $0x0  }
0x18e: {  	s0 =	smul.u32 $0xC, s0;
	[sflag:s1] =	ssyncadd.s32 $0xFFFF8000  }
0x18f: {  	s2 =	simm.s32 $0x40;
	s3 =	simm.s32 $0x60;
	s1 =	rddreg [dreg:$0x1]  }
0x190: {  	s4 =	simm.s32 $0x8A40;
	s31 =	rddreg [dreg:$0xc];
	s1 =	sadd.s32 s1, s0  }
0x191: {  	[hbm4b:s1+s2] =	stream.strided.scatter [tilespmem:s4], [sflag:$0x6], $0x8000, s3, s2, $0x38;
	[tilespmem:$0x18A40] =	vst v63  }
0x192: {  	s2 =	sadd.s32 $0x1, s31  }
0x193: {  	p0 =	sne.s32 s2, $0x19  }
.Ltmp5:
0x194: {  	_ = 	snop;
	(pc) =	sbr.rel @p0 .LBB2_2-.Ltmp5, $4  }
0x195: {  	_ = 	snop  }
0x196: {  	s29 =	rddreg [dreg:$0x8]  }
0x197: {  	s30 =	simm.s32 $0x20;
	s0 =	sadd.s32 s0, s29  }
0x198: {  	[hbm4b:s0+s30] =	stream.strided.scatter [tilespmem:s24], [sflag:$0x6], $0x4000, s3, s30, $0x38;
	[tilespmem:$0x18A40] =	vst v63  }
0x199: {  	s0 =	simm.s32 $0x5  }
0x19a: {  	_ =	swait.ge [sflag:s0], $0x8000  }
0x19b: {  	[sflag:s0] =	ssyncset.done $0x0  }
0x19c: {  	[sflag:s0] =	ssyncadd.s32 $0xFFFF8000  }
0x19d: {  	_ =	swait.ge [sflag:s0], $0x4000  }
0x19e: {  	[sflag:s0] =	ssyncset.done $0x0  }
0x19f: {  	s1 =	simm.s32 $0x6;
	[sflag:s0] =	ssyncadd.s32 $0xFFFFC000  }
0x1a0: {  	_ =	swait.ge [sflag:s1], $0x8000  }
0x1a1: {  	[sflag:s1] =	ssyncset.done $0x0  }
0x1a2: {  	[sflag:s1] =	ssyncadd.s32 $0xFFFF8000  }
0x1a3: {  	_ =	swait.ge [sflag:s1], $0x4000  }
0x1a4: {  	s2 =	rddreg [dreg:$0xb]  }
0x1a5: {  	s31 =	rddreg [dreg:$0xa];
	s2 =	sadd.s32 $0x1, s2  }
0x1a6: {  	p0 =	sne.s32 s2, s31  }
.Ltmp6:
0x1a7: {  	_ = 	snop;
	(pc) =	sbr.rel @p0 .LBB2_1-.Ltmp6, $3  }
0x1a8: {  	_ =	sdelay $0x1  }
0x1a9: {  	[sflag:s1] =	ssyncset.done $0x0  }
0x1aa: {  	[sflag:s1] =	ssyncadd.s32 $0xFFFFC000  }
0x1ab: {  	_ =	sfence.sel $0x180000  }
0x1ac: {  	[bflag:$0x0] =	sbarrier.arrive $0xFFFF  }
0x1ad: {  	_ =	strace $0x90000047  }
0x1ae: {  	s0 =	stileid.u32;
	[bflag:$0x2] =	sbarrier.arrive $0xFFFF  }
0x1af: {  	p0 =	sne.s32 s0, $0x0;
	s0 =	rddreg [dreg:$0x2]  }
0x1b0: {  	s0 =	sadd.s32 @!p0 $0x100000, s0  }
0x1b1: {  	[sflag:s0] =	ssyncadd.tile.s32 @!p0 $0x1;
	_ =	shalt  }
.Lfunc_end2:
_tile_overlayer_lowered:
.L_overlay_start_2:
0x1b2: {  	(tag) =	ssettag $0x2  }
0x1b3: {  	s0 =	rddreg [dreg:$0x0];
	s2 =	stileid.u32  }
0x1b4: {  	s1 =	rddreg [dreg:$0x1];
	p0 =	sne.s32 s2, $0x0  }
0x1b5: {  	s3 =	rddreg [dreg:$0x2];
	[bflag:$0x3] =	sbarrier.arrive $0xFFFF;
	s2 =	simm.s32 @!p0 $0x1C07  }
0x1b6: {  	[timem:s3], [sflag:s2] =	dma.local @!p0 [hbm:s0], s1  }
0x1b7: {  	s0 =	simm.s32 @!p0 $0x7  }
0x1b8: {  	_ =	swait.ge @!p0 [sflag:s0], s1  }
0x1b9: {  	s1 =	ssub.s32 @!p0 $0x0, s1;
	[sflag:s0] =	ssyncset.done @!p0 $0x0  }
0x1ba: {  	[sflag:s0] =	ssyncadd.s32 @!p0 s1  }
0x1bb: {  	[bflag:$0x3] =	sbarrier.arrive $0xFFFF  }
0x1bc: {  	_ =	shalt  }

// kernel: sparse-core-data-format-call.cloned.1.call-start
scs
called_computation_lowered:
.L_overlay_start_0:
0x0: {  	s2 =	sld [smem:$0x3FD9]  }
0x1: {  	s3 =	sld [smem:$0x3FFE];
	_ =	sdelay $0x1  }
0x2: {  	s1 =	srdreg.scid  }
0x3: {  	s0 =	sand.u32 $0x1, s1  }
0x4: {  	s18 =	sshll.u32 s0, $0xA;
	s2 =	sadd.s32 s3, s2  }
0x5: {  	s2 =	sadd.s32 s2, s18  }
0x6: {  	[smem:$0x3FC5] =	sst s2  }
0x7: {  	_ = 	snop  }
0x8: {  	s2 =	sld [smem:$0x3FD0];
	(tm) =	ssettm $0x1  }
0x9: {  	s19 =	sld [smem:$0x3FFB];
	_ =	sdelay $0x3  }
0xa: {  	_ =	strace s19  }
0xb: {  	s3 =	sld [smem:$0x3FFC];
	_ =	sdelay $0x3  }
0xc: {  	_ =	strace s3  }
0xd: {  	s3 =	sld [smem:$0x3FFD];
	_ =	sdelay $0x3  }
0xe: {  	_ =	strace s3  }
0xf: {  	_ =	strace $0x8FFFFFFF  }
0x10: {  	s20 =	sld [smem:$0x3FDB];
	_ =	sdelay $0x1  }
0x11: {  	s4 =	simm.s32 $_scs_section_size  }
0x12: {  	s5 =	simm.s32 $_size__tile_overlayer_lowered;
	s6 =	simm.s32 $_tile_overlayer_lowered  }
0x13: {  	s23 =	simm.s32 $0x1BFF;
	s22 =	sshll.u32 s6, $0x1;
	s3 =	sadd.s32 s4, s20  }
0x14: {  	s7 =	simm.s32 $0x0;
	s21 =	sshll.u32 s5, $0x1;
	s5 =	sadd.s32 s22, s3  }
0x15: {  	[timem:s7], [sflag:s23] =	dma.local [hbm:s5], s21  }
0x16: {  	_ =	swait.ge [sflag:s23], s21  }
0x17: {  	s4 =	ssub.s32 $0x0, s21;
	[sflag:s23] =	ssyncset.done $0x0  }
0x18: {  	[sflag:s23] =	ssyncadd.s32 s4;
	_ =	sdelay $0x1  }
0x19: {  	s24 =	simm.s32 $0x1B8B  }
0x1a: {  	_ =	swait.ge [sflag:s24], $0x1  }
0x1b: {  	[sflag:s24] =	ssyncset.done $0x0  }
0x1c: {  	s26 =	simm.s32 $0x1B8E;
	s25 =	sld [smem:$0x3FFE];
	[sflag:s24] =	ssyncadd.s32 $0xFFFFFFFF  }
0x1d: {  	s27 =	simm.s32 $execute0_lowered;
	[smem:$0x3FD2] =	sst s26  }
0x1e: {  	s5 =	sshll.u32 s27, $0x1;
	_ =	strace $0x80000049;
	[dreg:$0x1] =	wrdreg $0xFFFFFFFF  }
0x1f: {  	s28 =	simm.s32 $_size_execute0_lowered;
	s3 =	sadd.s32 s3, s5;
	[dreg:$0x0] =	wrdreg $0x0  }
0x20: {  	s5 =	sshll.u32 s28, $0x1;
	[dreg:$0x2] =	wrdreg s3  }
0x21: {  	[dreg:$0x3] =	wrdreg s5  }
0x22: {  	[dreg:$0x4] =	wrdreg $0xC0  }
0x23: {  	_ =	task [dreg:s7], $0x5FFFF  }
0x24: {  	[dreg:$0x1] =	wrdreg $0xFFFFFFFF  }
0x25: {  	[dreg:$0x0] =	wrdreg $0x60  }
0x26: {  	[dreg:$0x2] =	wrdreg s25  }
0x27: {  	[dreg:$0x3] =	wrdreg s2  }
0x28: {  	[dreg:$0x4] =	wrdreg $0x9  }
0x29: {  	_ =	task.clear_ibuf [dreg:s7], $0x5FFFF;
	_ =	strace $0x90000049  }
0x2a: {  	s29 =	simm.s32 $0x9;
	_ =	strace $0x8000004B  }
0x2b: {  	_ =	swait.ge [sflag:s29], $0x1  }
0x2c: {  	[sflag:s29] =	ssyncadd.s32 $0xFFFFFFFF  }
0x2d: {  	_ =	strace $0x9000004B  }
0x2e: {  	_ =	sfence  }
0x2f: {  	s30 =	sld [smem:$0x0];
	_ =	sdelay $0x2  }
0x30: {  	s31 =	sshll.u32 s1, $0xD;
	s1 =	sshrl.u32 s1, $0x2  }
0x31: {  	s3 =	sand.u32 $0x4000, s31;
	s1 =	sadd.s32 s1, s30  }
0x32: {  	s0 =	sor.u32 s3, s0;
	s1 =	sshll.u32 s1, $0x11  }
0x33: {  	s0 =	sor.u32 s1, s0  }
0x34: {  	s0 =	sadd.s32 $0x8F2B, s0  }
0x35: {  	[sflag:s0] =	ssyncadd.remote.s32 $0x1  }
0x36: {  	_ =	sfence.sel $0xFFFF  }
0x37: {  	[dreg:$0x0] =	wrdreg $0xFFFFFFFF;
	(pc) =	sbr.abs _section_cstart, $3  }
0x38: {  	[dreg:$0x1] =	wrdreg $0xFFFFFFFF  }
0x39: {  	_ =	task.clear_ibuf [dreg:s7], $0x2FFFF;
	_ =	strace $0x9FFFFFFF  }
0x3a: {  	(tm) =	ssettm $0x7FFFFFFF  }
0x3b: {  	_ =	shalt  }
tec
execute0_lowered:
.L_overlay_start_1:
0x0: {  	(tag) =	ssettag $0x1  }
0x1: {  	s0 =	srdreg.scid  }
0x2: {  	s1 =	sshll.u32 s0, $0x4  }
0x3: {  	s6 =	rddreg [dreg:$0x0];
	s0 =	stileid.u32;
	s1 =	sand.u32 $0x10, s1  }
0x4: {  	s3 =	rddreg [dreg:$0x1];
	s1 =	sor.u32 s0, s1  }
0x5: {  	s5 =	simm.s32 $0x1;
	s31 =	simm.s32 $0x2;
	s2 =	sshll.u32 s1, $0x7  }
0x6: {  	s15 =	simm.s32 $0x0;
	s8 =	simm.s32 $0x8000;
	s4 =	ssub.s32 $0x1000, s2  }
0x7: {  	s14 =	simm.s32 $0x0;
	s9 =	simm.s32 $0x0;
	s30 =	sand.u32 $0xF80, s4  }
0x8: {  	s10 =	simm.s32 $0x0;
	s11 =	simm.s32 $0x0;
	p0 =	sne.s32 s30, $0x0  }
.Ltmp0:
0x9: {  	s7 =	sshrl.u32 s4, $0xC;
	s5 =	simm.s32 @!p0 $0x0;
	(pc) =	sbr.rel .LBB1_1-.Ltmp0, $4  }
0xa: {  	s13 =	simm.s32 $0x0;
	s1 =	rddreg [dreg:$0x2];
	s5 =	sadd.s32 s5, s7  }
0xb: {  	_ =	strace $0x8000004A;
	s4 =	simm.s32 $0x1;
	s5 =	smul.u32 $0xC8, s5  }
0xc: {  	s6 =	sadd.s32 $0xC00, s6;
	s12 =	smov.u32 s2;
	[sflag:s4] =	ssyncpa.u1 $0x0  }
0xd: {  	[sflag:s31] =	ssyncpa.u1 $0x0;
	p0 =	por $0x0, $0x0;
	s7 =	sor.u32 $0x1, s5  }
.LBB1_4:
0xe: {  	s20 =	sshra.s32 s20, $0x2;
	s28 =	sshll.u32 s10, $0x3;
	p1 =	sgt.s32 s9, $0xC7  }
0xf: {  	s21 =	smov.u32 s9;
	s23 =	sshra.s32 s9, $0x1F;
	s24 =	smov.u32 s10  }
0x10: {  	v5 =	vld [tilespmem:s17+$0xFFFFFFD0];
	[tilespmem:s18+$0x2040 ss:$0x81] =	vst.msk $0xffff, v4;
	s25 =	sshra.s32 s10, $0x1F;
	s26 =	sand.u32 $0x78, s10;
	s19 =	sadd.s32 s20, s19  }
0x11: {  	v58 =	vld [tilespmem:s17+$0xFFFFFFE0];
	[tilespmem:s18+$0x2850 ss:$0x81] =	vst.msk $0xffff, v3;
	s22 =	sshrl.u32 s28, $0xC;
	s21 =	simm.s32 @!p1 $0xC7;
	s23 =	sand.u32 s23, s9  }
0x12: {  	v59 =	vld [tilespmem:s17+$0xFFFFFFF0];
	[tilespmem:s18+$0x3060 ss:$0x81] =	vst.msk $0xffff, v2;
	p1 =	sgt.s32 s10, $0xF80;
	s29 =	sand.u32 s25, s10;
	s20 =	sand.u32 $0xC00, s28  }
0x13: {  	v60 =	vld [tilespmem:s17+$0x0];
	[tilespmem:s18+$0x0 ss:$0x81] =	vst.msk $0xffff, v0;
	s28 =	smul.u32 $0xC000, s9;
	s21 =	ssub.s32 s21, s23;
	s24 =	simm.s32 @!p1 $0xF80  }
0x14: {  	v61 =	vld [tilespmem:s17+$0x10];
	s30 =	smulhi.u32 $0x2AAAAAB, s22;
	[tilespmem:s19+$0x3870 ss:$0x81] =	vst.msk $0xffff, v1;
	s20 =	sor.u32 s26, s20;
	s31 =	ssub.s32 $0xC8, s21  }
0x15: {  	v62 =	vld [tilespmem:s17+$0x20];
	s23 =	ssub.s32 s24, s29;
	s21 =	sadd.s32 $0xFFFFFF39, s21;
	s25 =	smul.u32 $0x60, s31;
	[tilespmem:s19+$0x810 ss:$0x81] =	vst.msk $0xffff, v5  }
0x16: {  	v63 =	vld [tilespmem:s17+$0xFFFFFFC0];
	s18 =	smul.u32 $0x60, s30;
	p1 =	sgt.s32 s21, $0x0;
	s27 =	sadd.s32 $0xFFFFF080, s23;
	[tilespmem:s19+$0x1020 ss:$0x81] =	vst.msk $0xffff, v58  }
0x17: {  	s17 =	ssub.s32 $0x1000, s23;
	[tilespmem:s19+$0x1830 ss:$0x81] =	vst.msk $0xffff, v59;
	s25 =	simm.s32 @p1 $0x0;
	p1 =	sgt.s32 s27, $0x7F  }
0x18: {  	s29 =	sand.u32 $0x7, s10;
	[tilespmem:s19+$0x2040 ss:$0x81] =	vst.msk $0xffff, v60;
	s18 =	ssub.s32 s22, s18;
	s17 =	simm.s32 @p1 $0x0  }
0x19: {  	s21 =	sadd.s32 s3, s28;
	[tilespmem:s19+$0x2850 ss:$0x81] =	vst.msk $0xffff, v61;
	s18 =	sshll.u32 s18, $0x9;
	s17 =	smul.u32 s17, s25  }
0x1a: {  	s20 =	sshrl.u32 s20, $0x3;
	s30 =	sshll.u32 s29, $0x12;
	[tilespmem:s19+$0x3060 ss:$0x81] =	vst.msk $0xffff, v62;
	s18 =	sadd.s32 s18, s21  }
0x1b: {  	[tilespmem:s19+$0x0 ss:$0x81] =	vst.msk $0xffff, v63;
	s31 =	sor.u32 $0x400, s30;
	s18 =	sadd.s32 s20, s18;
	s17 =	sand.u32 $0x3FFFFFE0, s17  }
0x1c: {  	[hbm4b:s18+s31] =	stream.strided.scatter [tilespmem:s16], [sflag:$0x2], s17, s8, s31, $0x20;
	[tilespmem:$0x10100] =	vst v63  }
.LBB1_5:
0x1d: {  	p1 =	slt.u32 s13, $0x2  }
0x1e: {  	s17 =	smov.u32 s15;
	p2 =	sgt.s32 @!p1 s15, $0xC7;
	s16 =	sshra.s32 @!p1 s15, $0x1F  }
0x1f: {  	p3 =	sgt.s32 @!p1 s14, $0xF80;
	s18 =	sshra.s32 @!p1 s14, $0x1F;
	p2 =	por !p2, p1  }
0x20: {  	s15 =	sand.u32 @!p1 s16, s15;
	p3 =	por !p3, p1;
	s16 =	smov.u32 s14  }
0x21: {  	s14 =	sand.u32 @!p1 s18, s14;
	s17 =	simm.s32 @p2 $0xC7;
	s16 =	simm.s32 @p3 $0xF80  }
0x22: {  	s18 =	smov.u32 s12;
	s15 =	ssub.s32 @!p1 s17, s15;
	s14 =	ssub.s32 @!p1 s16, s14  }
0x23: {  	s16 =	sadd.s32 @!p1 $0xFFFFFF39, s15;
	s15 =	ssub.s32 @!p1 $0xC8, s15;
	s17 =	sadd.s32 @!p1 $0xFFFFF080, s14  }
0x24: {  	p2 =	sgt.s32 @!p1 s16, $0x0;
	s15 =	smul.u32 @!p1 $0x60, s15;
	p3 =	sgt.s32 @!p1 s17, $0x7F  }
0x25: {  	s14 =	ssub.s32 @!p1 $0x1000, s14;
	p2 =	por !p2, p1;
	p3 =	por !p3, p1  }
0x26: {  	s16 =	sadd.s32 $0x1, s11;
	s15 =	simm.s32 @!p2 $0x0;
	s14 =	simm.s32 @!p3 $0x0  }
0x27: {  	p2 =	sgt.s32 s16, $0xC7;
	s14 =	smul.u32 @!p1 s14, s15;
	s15 =	sadd.s32 $0x1000, s12  }
0x28: {  	s18 =	smov.u32 @p2 s15  }
0x29: {  	s16 =	simm.s32 @p2 $0x0;
	p2 =	sgt.s32 s18, $0xFFF  }
0x2a: {  	s18 =	smov.u32 @p2 s2;
	p2 =	sne.s32 s13, s7  }
.Ltmp1:
0x2b: {  	p0 =	por !p0, !p0;
	s17 =	simm.s32 @!p1 $0x2;
	(pc) =	sbr.rel @!p2 .LBB1_6-.Ltmp1, $4  }
0x2c: {  	s15 =	smov.u32 s9;
	s9 =	smov.u32 s11;
	s14 =	sand.u32 @!p1 $0x3FFFFFE0, s14  }
0x2d: {  	s11 =	smov.u32 s16;
	_ =	swait.ge @!p1 [sflag:s17], s14;
	s19 =	ssub.s32 @!p1 $0x0, s14  }
0x2e: {  	s14 =	smov.u32 s10;
	s13 =	sadd.s32 $0x1, s13;
	[sflag:s17] =	ssyncset.done @!p1 $0x0  }
0x2f: {  	s10 =	smov.u32 s12;
	s12 =	smov.u32 s18;
	[sflag:s17] =	ssyncadd.s32 @!p1 s19  }
.LBB1_1:
0x30: {  	p1 =	sge.u32 s13, s5  }
0x31: {  	s16 =	sand.u32 @!p1 $0x1FFFFFF, s11  }
0x32: {  	s17 =	smulhi.u32 @!p1 $0x147AE15, s16;
	_ =	sdelay $0x1  }
0x33: {  	s17 =	smul.u32 @!p1 $0xC8, s17  }
0x34: {  	s18 =	sxor.u32 @!p1 $0xFFFFFFFF, s13;
	s19 =	smul.u32 @!p1 $0xC80, s12  }
0x35: {  	s31 =	sadd.s32 $0xFFFFFFFF, s13;
	s18 =	sshll.u32 @!p1 s18, $0xE;
	s16 =	ssub.s32 @!p1 s16, s17  }
0x36: {  	s17 =	sand.u32 @!p1 $0x4000, s18;
	s18 =	sadd.s32 @!p1 s6, s19;
	s16 =	sshll.u32 @!p1 s16, $0x4  }
0x37: {  	s19 =	simm.s32 @!p1 $0x6400;
	s16 =	sadd.s32 @!p1 s16, s18;
	s18 =	simm.s32 @!p1 $0x80  }
0x38: {  	[tilespmem:s17], [sflag:$0x1] =	stream.strided.gather @!p1 [hbm4b:s16+s18], $0x4000, s19, s18, $0x38;
	[tilespmem:$0x10100] =	vst v63  }
0x39: {  	p1 =	sge.u32 s31, s5  }
.Ltmp2:
0x3a: {  	_ = 	snop;
	(pc) =	sbr.rel @p1 .LBB1_5-.Ltmp2, $1  }
0x3b: {  	_ =	sdelay $0x3  }
0x3c: {  	s16 =	simm.s32 $0x1  }
0x3d: {  	_ =	swait.ge [sflag:s4], $0x4000;
	s16 =	simm.s32 @!p0 $0x0  }
0x3e: {  	[sflag:s4] =	ssyncset.done $0x0;
	s17 =	sshll.u32 s16, $0xE  }
0x3f: {  	[sflag:s4] =	ssyncadd.s32 $0xFFFFC000;
	s17 =	sor.u32 $0x40, s17  }
0x40: {  	s16 =	smul.u32 $0x10200, s16;
	v0 =	vld [tilespmem:s17+$0x30]  }
0x41: {  	v1 =	vld [tilespmem:s17+$0xFFFFFFD0]  }
0x42: {  	s16 =	sshrl.u32 s16, $0x2;
	v5 =	vld [tilespmem:s17+$0xFFFFFFE0]  }
0x43: {  	v6 =	vld [tilespmem:s17+$0xFFFFFFF0];
	s19 =	sor.u32 $0x8000, s16  }
0x44: {  	s31 =	sand.u32 $0x1, s13;
	v4 =	vld [tilespmem:s17+$0x0];
	s18 =	sadd.s32 $0x0, s19  }
0x45: {  	v3 =	vld [tilespmem:s17+$0x10];
	s16 =	smul.u32 $0x10200, s31;
	[tilespmem:s18+$0x3870 ss:$0x81] =	vst.msk $0xffff, v0  }
0x46: {  	v2 =	vld [tilespmem:s17+$0x20];
	[tilespmem:s18+$0x810 ss:$0x81] =	vst.msk $0xffff, v1  }
0x47: {  	s16 =	sshrl.u32 s16, $0x2;
	v0 =	vld [tilespmem:s17+$0xFFFFFFC0];
	[tilespmem:s18+$0x1020 ss:$0x81] =	vst.msk $0xffff, v5;
	s17 =	sadd.s32 $0x80, s17  }
0x48: {  	s20 =	simm.s32 $0x4;
	s21 =	simm.s32 $0x8;
	s16 =	sor.u32 $0x8000, s16;
	[tilespmem:s18+$0x1830 ss:$0x81] =	vst.msk $0xffff, v6;
	v1 =	vld [tilespmem:s17+$0x30]  }
.LBB1_3:
0x49: {  	p1 =	sne.s32 s21, $0x1FC;
	v5 =	vld [tilespmem:s17+$0xFFFFFFD0];
	[tilespmem:s18+$0x2040 ss:$0x81] =	vst.msk $0xffff, v4  }
0x4a: {  	v6 =	vld [tilespmem:s17+$0xFFFFFFE0];
	[tilespmem:s18+$0x2850 ss:$0x81] =	vst.msk $0xffff, v3  }
0x4b: {  	s22 =	sshra.s32 s20, $0x2;
	s20 =	smov.u32 s21;
	v7 =	vld [tilespmem:s17+$0xFFFFFFF0];
	[tilespmem:s18+$0x3060 ss:$0x81] =	vst.msk $0xffff, v2  }
.Ltmp3:
0x4c: {  	v4 =	vld [tilespmem:s17+$0x0];
	[tilespmem:s18+$0x0 ss:$0x81] =	vst.msk $0xffff, v0;
	s18 =	sadd.s32 s22, s19;
	(pc) =	sbr.rel @p1 .LBB1_3-.Ltmp3, $4  }
0x4d: {  	v3 =	vld [tilespmem:s17+$0x10];
	[tilespmem:s18+$0x3870 ss:$0x81] =	vst.msk $0xffff, v1  }
0x4e: {  	[tilespmem:s18+$0x810 ss:$0x81] =	vst.msk $0xffff, v5;
	v2 =	vld [tilespmem:s17+$0x20]  }
0x4f: {  	v0 =	vld [tilespmem:s17+$0xFFFFFFC0];
	[tilespmem:s18+$0x1020 ss:$0x81] =	vst.msk $0xffff, v6;
	s17 =	sadd.s32 $0x80, s17  }
0x50: {  	s21 =	sadd.s32 $0x4, s21;
	v1 =	vld [tilespmem:s17+$0x30];
	[tilespmem:s18+$0x1830 ss:$0x81] =	vst.msk $0xffff, v7  }
.Ltmp4:
0x51: {  	_ = 	snop;
	(pc) =	sbr.rel .LBB1_4-.Ltmp4, $1  }
0x52: {  	_ =	sdelay $0x3  }
.LBB1_6:
0x53: {  	_ =	sfence.sel $0x180000  }
0x54: {  	s2 =	simm.s32 $0x1;
	[bflag:$0x0] =	sbarrier.arrive $0xFFFF  }
0x55: {  	s31 =	simm.s32 $0x2;
	[sflag:s2] =	ssyncpa.u1 $0x1  }
0x56: {  	[sflag:s31] =	ssyncpa.u1 $0x1  }
0x57: {  	p0 =	sne.s32 s0, $0x0;
	_ =	strace $0x9000004A  }
0x58: {  	s0 =	sadd.s32 @!p0 $0x100000, s1;
	[bflag:$0x2] =	sbarrier.arrive $0xFFFF  }
0x59: {  	[sflag:s0] =	ssyncadd.tile.s32 @!p0 $0x1;
	_ =	shalt  }
.Lfunc_end1:
_tile_overlayer_lowered:
.L_overlay_start_2:
0x5a: {  	(tag) =	ssettag $0x2  }
0x5b: {  	s0 =	rddreg [dreg:$0x0];
	s2 =	stileid.u32  }
0x5c: {  	s1 =	rddreg [dreg:$0x1];
	p0 =	sne.s32 s2, $0x0  }
0x5d: {  	s3 =	rddreg [dreg:$0x2];
	[bflag:$0x3] =	sbarrier.arrive $0xFFFF;
	s2 =	simm.s32 @!p0 $0x1C01  }
0x5e: {  	[timem:s3], [sflag:s2] =	dma.local @!p0 [hbm:s0], s1  }
0x5f: {  	s0 =	simm.s32 @!p0 $0x1  }
0x60: {  	_ =	swait.ge @!p0 [sflag:s0], s1  }
0x61: {  	s1 =	ssub.s32 @!p0 $0x0, s1;
	[sflag:s0] =	ssyncset.done @!p0 $0x0  }
0x62: {  	[sflag:s0] =	ssyncadd.s32 @!p0 s1  }
0x63: {  	[bflag:$0x3] =	sbarrier.arrive $0xFFFF  }
0x64: {  	_ =	shalt  }

</sc_bundles>
